<compile_context>
chip_gen: v7x
topology: tpu7x:2x2x1
jax: 0.10.2.dev20260603
libtpu: 0.0.44.dev20260713+nightly
codegen_flags: <defaults>
</compile_context>

<pallas_src>
import functools

import jax
import jax.numpy as jnp
from jax import lax
from jax.experimental import pallas as pl
from jax.experimental.pallas import tpu as pltpu
from jax.experimental.pallas import tpu_sc as plsc

N = 10000
E = 320000
D = 128

NC = 2
NS = 16
NW = NC * NS
L = 16

K = 128
CHUNKS = E // K
HALF_E = E
HALF_CHUNKS = HALF_E // K
M_MAX = -(-HALF_CHUNKS // NW)
NBUF = 3
P = 2

N_PAD = 10112
SLAB = N_PAD // NS


def _sc_partial(edge_half, il3_half, zeros):
    mesh = plsc.VectorSubcoreMesh(core_axis_name="c", subcore_axis_name="s")

    @functools.partial(
        pl.kernel,
        out_type=jax.ShapeDtypeStruct((NC, N_PAD, D), jnp.float32),
        mesh=mesh,
        scratch_types=[
            pltpu.VMEM((NBUF, 2, K), jnp.int32),
            pltpu.VMEM((NBUF, K, D), jnp.float32),
            pltpu.VMEM_SHARED((N_PAD, D), jnp.float32),
            pltpu.SemaphoreType.DMA((NBUF,)),
            pltpu.SemaphoreType.DMA((NBUF,)),
            pltpu.SemaphoreType.DMA((NBUF,)),
        ],
        compiler_params=pltpu.CompilerParams(needs_layout_passes=False),
    )
    def k(edge_hbm, il_hbm, zeros_hbm, part_hbm,
          il_v, rows_v, acc, msem, rsem, ssem):
        c = lax.axis_index("c")
        s = lax.axis_index("s")
        wid = s * NC + c
        lane = lax.iota(jnp.int32, L)
        zero16 = jnp.zeros((L,), jnp.int32)

        pltpu.sync_copy(
            zeros_hbm.at[pl.ds(s * SLAB, SLAB)],
            acc.at[pl.ds(s * SLAB, SLAB)],
        )
        plsc.subcore_barrier()

        def issue_gathers(mm, b):
            cid = mm * NW + wid

            @pl.when(cid < HALF_CHUNKS)
            def _():
                pltpu.async_copy(il_hbm.at[cid], il_v.at[b], msem.at[b])
                pltpu.async_copy(
                    edge_hbm.at[pl.ds(cid * K, K), pl.ds(0, D)],
                    rows_v.at[b], rsem.at[b])

        def wait_meta(b):
            pltpu.make_async_copy(il_hbm.at[0], il_v.at[b], msem.at[b]).wait()

        def wait_rows(b):
            pltpu.make_async_copy(
                edge_hbm.at[pl.ds(0, K), pl.ds(0, D)],
                rows_v.at[b], rsem.at[b]).wait()

        def wait_scat(b):
            pltpu.make_async_copy(
                rows_v.at[b], acc.at[il_v.at[b, 0]], ssem.at[b]).wait()

        def consume(mm, b):
            cid = mm * NW + wid

            @pl.when(cid < HALF_CHUNKS)
            def _():
                wait_meta(b)
                wait_rows(b)
                for i in range(K // L):
                    vals = plsc.bitcast(
                        il_v[b, 1, pl.ds(i * L, L)], jnp.float32)
                    plsc.store_scatter(
                        rows_v.at[b], [lane + i * L, zero16], vals)
                pltpu.async_copy(
                    rows_v.at[b], acc.at[il_v.at[b, 0]], ssem.at[b],
                    add=True)

        for p in range(P):
            issue_gathers(p, p)

        ROUNDS = -(-M_MAX // NBUF)

        def body(r, carry):
            for b in range(NBUF):
                mm = r * NBUF + b
                consume(mm, b)
                kk = mm + P
                kb = (b + P) % NBUF
                kcid = kk * NW + wid

                @pl.when(kcid < HALF_CHUNKS)
                def _():
                    @pl.when(kk >= NBUF)
                    def _():
                        wait_scat(kb)
                    issue_gathers(kk, kb)
            return carry

        lax.fori_loop(0, ROUNDS, body, 0)

        for d in range(ROUNDS * NBUF - NBUF - P - 2, ROUNDS * NBUF):
            cid = d * NW + wid
            cid4 = (d + NBUF) * NW + wid

            @pl.when(jnp.logical_and(cid < HALF_CHUNKS,
                                     cid4 >= HALF_CHUNKS))
            def _():
                wait_scat(d % NBUF)

        plsc.subcore_barrier()

        pltpu.sync_copy(
            acc.at[pl.ds(s * SLAB, SLAB)],
            part_hbm.at[c, pl.ds(s * SLAB, SLAB)],
        )

    return k(edge_half, il3_half, zeros)


def _combine(vertex_attr, pa):
    def body(v_ref, pa_ref, o_ref):
        p = pa_ref[0] + pa_ref[1]
        o_ref[:, :D] = v_ref[...]
        o_ref[:, D:] = jnp.concatenate([p[:, 1:], p[:, :1]], axis=1)

    return pl.pallas_call(
        body,
        grid=(10,),
        in_specs=[
            pl.BlockSpec((1000, D), lambda i: (i, 0)),
            pl.BlockSpec((NC, 1000, D), lambda i: (0, i, 0)),
        ],
        out_specs=pl.BlockSpec((1000, 2 * D), lambda i: (i, 0)),
        out_shape=jax.ShapeDtypeStruct((N, 2 * D), jnp.float32),
    )(vertex_attr, pa)


def kernel(vertex_attr, edgeij_pair, edge_attr, g, batch):
    dst2 = edgeij_pair[1].reshape(CHUNKS, 1, K)
    last2 = lax.bitcast_convert_type(
        edge_attr[:, D].reshape(CHUNKS, 1, K), jnp.int32)
    il3 = jnp.concatenate([dst2, last2], axis=1)
    zeros = jnp.zeros((N_PAD, D), dtype=jnp.float32)
    pa = _sc_partial(edge_attr, il3, zeros)
    return _combine(vertex_attr, pa)

# --- scband reference (transcript-rebuilt; emitter-appended) ---
"""Pipeline reference for scband-vertex-update-91096256348964 (READ-ONLY COPY).

The authoritative reference and input builder live on the scoring server;
editing this copy changes nothing except your own understanding.
"""

import jax, jax.numpy as jnp
import numpy as np

N = 10000
E = 320000
D = 128

def edge_aggregation_function(edgeij_pair, c_ij, n_vertices):
    # scatter-add edge messages to destination vertices (row 1 of edgeij_pair)
    return jax.ops.segment_sum(c_ij, edgeij_pair[1], num_segments=n_vertices)

def setup_inputs(seed: int = 0) -> dict:
    key = jax.random.key(seed)
    k1, k2, k3, k4 = jax.random.split(key, 4)
    vertex_attr = jax.random.normal(k1, (N, D), dtype=jnp.float32)
    edgeij_pair = jax.random.randint(k2, (2, E), 0, N, dtype=jnp.int32)
    edge_attr = jax.random.normal(k3, (E, 1 + D), dtype=jnp.float32)
    g = jax.random.normal(k4, (1, D), dtype=jnp.float32)
    batch = jnp.zeros((N,), dtype=jnp.int32)
    return {"vertex_attr": vertex_attr, "edgeij_pair": edgeij_pair, "edge_attr": edge_attr, "g": g, "batch": batch}

def reference(vertex_attr, edgeij_pair, edge_attr, g, batch):
    d = vertex_attr.shape[1]
    c_ij = edge_attr[:, 1:1 + d]
    x_i = vertex_attr
    n_vertices = x_i.shape[0]
    cbar_i = edge_aggregation_function(edgeij_pair, c_ij, n_vertices)
    y_i = cbar_i
    return jnp.concatenate([x_i, y_i], axis=1)

if __name__ == "__main__":
    import jax
    _d = setup_inputs()
    print(jax.jit(kernel)(*tuple(_d.values())))

</pallas_src>

<mosaic_0001>
#map = affine_map<(d0, d1) -> (0, 0)>
#map1 = affine_map<(d0, d1) -> (0, 0, 0)>
module attributes {stable_mosaic.version = 14 : i64} {
  func.func @k(%arg0: i32, %arg1: i32, %arg2: memref<320000x129xf32, #tpu.memory_space<hbm>>, %arg3: memref<2500x2x128xi32, #tpu.memory_space<hbm>>, %arg4: memref<10112x128xf32, #tpu.memory_space<hbm>>, %arg5: memref<2x10112x128xf32, #tpu.memory_space<hbm>>, %arg6: memref<3x2x128xi32, #tpu.memory_space<vmem>>, %arg7: memref<3x128x128xf32, #tpu.memory_space<vmem>>, %arg8: memref<10112x128xf32, #tpu.memory_space<vmem_shared>>, %arg9: memref<3x!tpu.dma_semaphore, #tpu.memory_space<semaphore_mem>>, %arg10: memref<3x!tpu.dma_semaphore, #tpu.memory_space<semaphore_mem>>, %arg11: memref<3x!tpu.dma_semaphore, #tpu.memory_space<semaphore_mem>>) attributes {dimension_semantics = [#tpu.dimension_semantics<core_parallel>, #tpu.dimension_semantics<subcore_parallel>], iteration_bounds = array<i64: 2, 16>, scalar_prefetch = 0 : i64, scratch_operands = 6 : i64, tpu.core_type = #tpu.core_type<sc_vector_subcore>, window_params = [{transform_indices = #map}, {transform_indices = #map1}, {transform_indices = #map}, {transform_indices = #map1}]} {
    %mul3A = arith.constant 2 : i32
    %mul3A_0 = arith.muli %arg1, %mul3A : i32
    %add3A = arith.addi %mul3A_0, %arg0 : i32
    %iota3A = tpu.iota {dimensions = array<i32: 0>} : vector<16xi32>
    %broadcast_in_dim3A = arith.constant 0 : i32
    %broadcast_in_dim3A_1 = vector.broadcast %broadcast_in_dim3A : i32 to vector<16xi32>
    %mul3A_2 = arith.constant 632 : i32
    %mul3A_3 = arith.muli %arg1, %mul3A_2 : i32
    %mul3A_4 = arith.constant 632 : i32
    %mul3A_5 = arith.muli %arg1, %mul3A_4 : i32
    "tpu.region"() ({
      %run_scoped3A = tpu.sem_alloc : memref<!tpu.dma_semaphore, #tpu.memory_space<semaphore_mem>>
      %dma_start3A = arith.constant 0 : i32
      %dma_start3A_109 = tpu.memref_slice %arg8[%mul3A_5, %dma_start3A] : memref<10112x128xf32, #tpu.memory_space<vmem_shared>> -> memref<632x128xf32, #tpu.memory_space<vmem_shared>>
      %dma_start3A_110 = arith.constant 0 : i32
      %dma_start3A_111 = tpu.memref_slice %arg4[%mul3A_3, %dma_start3A_110] : memref<10112x128xf32, #tpu.memory_space<hbm>> -> memref<632x128xf32, #tpu.memory_space<hbm>>
      tpu.enqueue_dma source(%dma_start3A_111 : memref<632x128xf32, #tpu.memory_space<hbm>>) target(%dma_start3A_109 : memref<632x128xf32, #tpu.memory_space<vmem_shared>>) target_semaphore(%run_scoped3A : memref<!tpu.dma_semaphore, #tpu.memory_space<semaphore_mem>>)
      %dma_wait3A = arith.constant 0 : i32
      %dma_wait3A_112 = tpu.memref_slice %arg8[%mul3A_5, %dma_wait3A] : memref<10112x128xf32, #tpu.memory_space<vmem_shared>> -> memref<632x128xf32, #tpu.memory_space<vmem_shared>>
      %dma_wait3A_113 = arith.constant 0 : i32
      %dma_wait3A_114 = tpu.memref_slice %arg4[%mul3A_3, %dma_wait3A_113] : memref<10112x128xf32, #tpu.memory_space<hbm>> -> memref<632x128xf32, #tpu.memory_space<hbm>>
      tpu.wait_dma2 semaphore(%run_scoped3A : memref<!tpu.dma_semaphore, #tpu.memory_space<semaphore_mem>>) src(%dma_wait3A_114 : memref<632x128xf32, #tpu.memory_space<hbm>>) dst(%dma_wait3A_112 : memref<632x128xf32, #tpu.memory_space<vmem_shared>>)
      tpu.yield
    }) : () -> ()
    %barrier3A = arith.constant 0 : index
    tpu.barrier barrier_id(%barrier3A)
    %add3A_6 = arith.constant 0 : i32
    %add3A_7 = arith.addi %add3A_6, %add3A : i32
    %lt3A = arith.constant 2500 : i32
    %lt3A_8 = arith.cmpi slt, %add3A_7, %lt3A : i32
    %convert_element_type3A = arith.extui %lt3A_8 : i1 to i32
    %cond3A = arith.constant 0 : i32
    %cond3A_9 = arith.cmpi ne, %convert_element_type3A, %cond3A : i32
    scf.if %cond3A_9 {
      %dma_start3A = arith.constant 0 : i32
      %dma_start3A_109 = arith.constant 0 : i32
      %dma_start3A_110 = arith.constant 0 : i32
      %dma_start3A_111 = arith.constant 0 : i32
      %dma_start3A_112 = tpu.memref_slice %arg6[%dma_start3A, %dma_start3A_110, %dma_start3A_111] : memref<3x2x128xi32, #tpu.memory_space<vmem>> -> memref<1x2x128xi32, #tpu.memory_space<vmem>>
      %dma_start3A_113 = tpu.memref_squeeze %dma_start3A_112 : memref<1x2x128xi32, #tpu.memory_space<vmem>> -> memref<2x128xi32, #tpu.memory_space<vmem>>
      %dma_start3A_114 = arith.constant 0 : i32
      %dma_start3A_115 = arith.constant 0 : i32
      %dma_start3A_116 = tpu.memref_slice %arg3[%add3A_7, %dma_start3A_114, %dma_start3A_115] : memref<2500x2x128xi32, #tpu.memory_space<hbm>> -> memref<1x2x128xi32, #tpu.memory_space<hbm>>
      %dma_start3A_117 = tpu.memref_squeeze %dma_start3A_116 : memref<1x2x128xi32, #tpu.memory_space<hbm>> -> memref<2x128xi32, #tpu.memory_space<hbm>>
      %dma_start3A_118 = tpu.memref_slice %arg9[%dma_start3A_109] : memref<3x!tpu.dma_semaphore, #tpu.memory_space<semaphore_mem>> -> memref<1x!tpu.dma_semaphore, #tpu.memory_space<semaphore_mem>>
      %dma_start3A_119 = tpu.memref_squeeze %dma_start3A_118 : memref<1x!tpu.dma_semaphore, #tpu.memory_space<semaphore_mem>> -> memref<!tpu.dma_semaphore, #tpu.memory_space<semaphore_mem>>
      %dma_start3A_120 = arith.constant 0 : i32
      %dma_start3A_121 = arith.constant 0 : i32
      %dma_start3A_122 = tpu.memref_slice %arg6[%dma_start3A, %dma_start3A_120, %dma_start3A_121] : memref<3x2x128xi32, #tpu.memory_space<vmem>> -> memref<1x2x128xi32, #tpu.memory_space<vmem>>
      %dma_start3A_123 = tpu.memref_squeeze %dma_start3A_122 : memref<1x2x128xi32, #tpu.memory_space<vmem>> -> memref<2x128xi32, #tpu.memory_space<vmem>>
      %dma_start3A_124 = arith.constant 0 : i32
      %dma_start3A_125 = arith.constant 0 : i32
      %dma_start3A_126 = tpu.memref_slice %arg3[%add3A_7, %dma_start3A_124, %dma_start3A_125] : memref<2500x2x128xi32, #tpu.memory_space<hbm>> -> memref<1x2x128xi32, #tpu.memory_space<hbm>>
      %dma_start3A_127 = tpu.memref_squeeze %dma_start3A_126 : memref<1x2x128xi32, #tpu.memory_space<hbm>> -> memref<2x128xi32, #tpu.memory_space<hbm>>
      tpu.enqueue_dma source(%dma_start3A_127 : memref<2x128xi32, #tpu.memory_space<hbm>>) target(%dma_start3A_123 : memref<2x128xi32, #tpu.memory_space<vmem>>) target_semaphore(%dma_start3A_119 : memref<!tpu.dma_semaphore, #tpu.memory_space<semaphore_mem>>)
      %mul3A_128 = arith.constant 128 : i32
      %mul3A_129 = arith.muli %add3A_7, %mul3A_128 : i32
      %dma_start3A_130 = arith.constant 0 : i32
      %dma_start3A_131 = arith.constant 0 : i32
      %dma_start3A_132 = arith.constant 0 : i32
      %dma_start3A_133 = arith.constant 0 : i32
      %dma_start3A_134 = tpu.memref_slice %arg7[%dma_start3A_130, %dma_start3A_132, %dma_start3A_133] : memref<3x128x128xf32, #tpu.memory_space<vmem>> -> memref<1x128x128xf32, #tpu.memory_space<vmem>>
      %dma_start3A_135 = tpu.memref_squeeze %dma_start3A_134 : memref<1x128x128xf32, #tpu.memory_space<vmem>> -> memref<128x128xf32, #tpu.memory_space<vmem>>
      %dma_start3A_136 = arith.constant 0 : i32
      %dma_start3A_137 = tpu.memref_slice %arg2[%mul3A_129, %dma_start3A_136] : memref<320000x129xf32, #tpu.memory_space<hbm>> -> memref<128x128xf32, #tpu.memory_space<hbm>>
      %dma_start3A_138 = tpu.memref_slice %arg10[%dma_start3A_131] : memref<3x!tpu.dma_semaphore, #tpu.memory_space<semaphore_mem>> -> memref<1x!tpu.dma_semaphore, #tpu.memory_space<semaphore_mem>>
      %dma_start3A_139 = tpu.memref_squeeze %dma_start3A_138 : memref<1x!tpu.dma_semaphore, #tpu.memory_space<semaphore_mem>> -> memref<!tpu.dma_semaphore, #tpu.memory_space<semaphore_mem>>
      %dma_start3A_140 = arith.constant 0 : i32
      %dma_start3A_141 = arith.constant 0 : i32
      %dma_start3A_142 = tpu.memref_slice %arg7[%dma_start3A_130, %dma_start3A_140, %dma_start3A_141] : memref<3x128x128xf32, #tpu.memory_space<vmem>> -> memref<1x128x128xf32, #tpu.memory_space<vmem>>
      %dma_start3A_143 = tpu.memref_squeeze %dma_start3A_142 : memref<1x128x128xf32, #tpu.memory_space<vmem>> -> memref<128x128xf32, #tpu.memory_space<vmem>>
      %dma_start3A_144 = arith.constant 0 : i32
      %dma_start3A_145 = tpu.memref_slice %arg2[%mul3A_129, %dma_start3A_144] : memref<320000x129xf32, #tpu.memory_space<hbm>> -> memref<128x128xf32, #tpu.memory_space<hbm>>
      tpu.enqueue_dma source(%dma_start3A_145 : memref<128x128xf32, #tpu.memory_space<hbm>>) target(%dma_start3A_143 : memref<128x128xf32, #tpu.memory_space<vmem>>) target_semaphore(%dma_start3A_139 : memref<!tpu.dma_semaphore, #tpu.memory_space<semaphore_mem>>)
    } else {
    }
    %add3A_10 = arith.constant 32 : i32
    %add3A_11 = arith.addi %add3A_10, %add3A : i32
    %lt3A_12 = arith.constant 2500 : i32
    %lt3A_13 = arith.cmpi slt, %add3A_11, %lt3A_12 : i32
    %convert_element_type3A_14 = arith.extui %lt3A_13 : i1 to i32
    %cond3A_15 = arith.constant 0 : i32
    %cond3A_16 = arith.cmpi ne, %convert_element_type3A_14, %cond3A_15 : i32
    scf.if %cond3A_16 {
      %dma_start3A = arith.constant 1 : i32
      %dma_start3A_109 = arith.constant 1 : i32
      %dma_start3A_110 = arith.constant 0 : i32
      %dma_start3A_111 = arith.constant 0 : i32
      %dma_start3A_112 = tpu.memref_slice %arg6[%dma_start3A, %dma_start3A_110, %dma_start3A_111] : memref<3x2x128xi32, #tpu.memory_space<vmem>> -> memref<1x2x128xi32, #tpu.memory_space<vmem>>
      %dma_start3A_113 = tpu.memref_squeeze %dma_start3A_112 : memref<1x2x128xi32, #tpu.memory_space<vmem>> -> memref<2x128xi32, #tpu.memory_space<vmem>>
      %dma_start3A_114 = arith.constant 0 : i32
      %dma_start3A_115 = arith.constant 0 : i32
      %dma_start3A_116 = tpu.memref_slice %arg3[%add3A_11, %dma_start3A_114, %dma_start3A_115] : memref<2500x2x128xi32, #tpu.memory_space<hbm>> -> memref<1x2x128xi32, #tpu.memory_space<hbm>>
      %dma_start3A_117 = tpu.memref_squeeze %dma_start3A_116 : memref<1x2x128xi32, #tpu.memory_space<hbm>> -> memref<2x128xi32, #tpu.memory_space<hbm>>
      %dma_start3A_118 = tpu.memref_slice %arg9[%dma_start3A_109] : memref<3x!tpu.dma_semaphore, #tpu.memory_space<semaphore_mem>> -> memref<1x!tpu.dma_semaphore, #tpu.memory_space<semaphore_mem>>
      %dma_start3A_119 = tpu.memref_squeeze %dma_start3A_118 : memref<1x!tpu.dma_semaphore, #tpu.memory_space<semaphore_mem>> -> memref<!tpu.dma_semaphore, #tpu.memory_space<semaphore_mem>>
      %dma_start3A_120 = arith.constant 0 : i32
      %dma_start3A_121 = arith.constant 0 : i32
      %dma_start3A_122 = tpu.memref_slice %arg6[%dma_start3A, %dma_start3A_120, %dma_start3A_121] : memref<3x2x128xi32, #tpu.memory_space<vmem>> -> memref<1x2x128xi32, #tpu.memory_space<vmem>>
      %dma_start3A_123 = tpu.memref_squeeze %dma_start3A_122 : memref<1x2x128xi32, #tpu.memory_space<vmem>> -> memref<2x128xi32, #tpu.memory_space<vmem>>
      %dma_start3A_124 = arith.constant 0 : i32
      %dma_start3A_125 = arith.constant 0 : i32
      %dma_start3A_126 = tpu.memref_slice %arg3[%add3A_11, %dma_start3A_124, %dma_start3A_125] : memref<2500x2x128xi32, #tpu.memory_space<hbm>> -> memref<1x2x128xi32, #tpu.memory_space<hbm>>
      %dma_start3A_127 = tpu.memref_squeeze %dma_start3A_126 : memref<1x2x128xi32, #tpu.memory_space<hbm>> -> memref<2x128xi32, #tpu.memory_space<hbm>>
      tpu.enqueue_dma source(%dma_start3A_127 : memref<2x128xi32, #tpu.memory_space<hbm>>) target(%dma_start3A_123 : memref<2x128xi32, #tpu.memory_space<vmem>>) target_semaphore(%dma_start3A_119 : memref<!tpu.dma_semaphore, #tpu.memory_space<semaphore_mem>>)
      %mul3A_128 = arith.constant 128 : i32
      %mul3A_129 = arith.muli %add3A_11, %mul3A_128 : i32
      %dma_start3A_130 = arith.constant 1 : i32
      %dma_start3A_131 = arith.constant 1 : i32
      %dma_start3A_132 = arith.constant 0 : i32
      %dma_start3A_133 = arith.constant 0 : i32
      %dma_start3A_134 = tpu.memref_slice %arg7[%dma_start3A_130, %dma_start3A_132, %dma_start3A_133] : memref<3x128x128xf32, #tpu.memory_space<vmem>> -> memref<1x128x128xf32, #tpu.memory_space<vmem>>
      %dma_start3A_135 = tpu.memref_squeeze %dma_start3A_134 : memref<1x128x128xf32, #tpu.memory_space<vmem>> -> memref<128x128xf32, #tpu.memory_space<vmem>>
      %dma_start3A_136 = arith.constant 0 : i32
      %dma_start3A_137 = tpu.memref_slice %arg2[%mul3A_129, %dma_start3A_136] : memref<320000x129xf32, #tpu.memory_space<hbm>> -> memref<128x128xf32, #tpu.memory_space<hbm>>
      %dma_start3A_138 = tpu.memref_slice %arg10[%dma_start3A_131] : memref<3x!tpu.dma_semaphore, #tpu.memory_space<semaphore_mem>> -> memref<1x!tpu.dma_semaphore, #tpu.memory_space<semaphore_mem>>
      %dma_start3A_139 = tpu.memref_squeeze %dma_start3A_138 : memref<1x!tpu.dma_semaphore, #tpu.memory_space<semaphore_mem>> -> memref<!tpu.dma_semaphore, #tpu.memory_space<semaphore_mem>>
      %dma_start3A_140 = arith.constant 0 : i32
      %dma_start3A_141 = arith.constant 0 : i32
      %dma_start3A_142 = tpu.memref_slice %arg7[%dma_start3A_130, %dma_start3A_140, %dma_start3A_141] : memref<3x128x128xf32, #tpu.memory_space<vmem>> -> memref<1x128x128xf32, #tpu.memory_space<vmem>>
      %dma_start3A_143 = tpu.memref_squeeze %dma_start3A_142 : memref<1x128x128xf32, #tpu.memory_space<vmem>> -> memref<128x128xf32, #tpu.memory_space<vmem>>
      %dma_start3A_144 = arith.constant 0 : i32
      %dma_start3A_145 = tpu.memref_slice %arg2[%mul3A_129, %dma_start3A_144] : memref<320000x129xf32, #tpu.memory_space<hbm>> -> memref<128x128xf32, #tpu.memory_space<hbm>>
      tpu.enqueue_dma source(%dma_start3A_145 : memref<128x128xf32, #tpu.memory_space<hbm>>) target(%dma_start3A_143 : memref<128x128xf32, #tpu.memory_space<vmem>>) target_semaphore(%dma_start3A_139 : memref<!tpu.dma_semaphore, #tpu.memory_space<semaphore_mem>>)
    } else {
    }
    %scan3A = arith.constant 0 : i32
    %scan3A_17 = arith.constant 0 : i32
    %scan3A_18 = arith.constant 27 : i32
    %scan3A_19 = arith.addi %scan3A_17, %scan3A_18 : i32
    %scan3A_20 = arith.constant 1 : i32
    scf.for %scan3A_109 = %scan3A_17 to %scan3A_19 step %scan3A_20  : i32 {
      %mul3A_110 = arith.constant 3 : i32
      %mul3A_111 = arith.muli %scan3A_109, %mul3A_110 : i32
      %add3A_112 = arith.constant 0 : i32
      %add3A_113 = arith.addi %mul3A_111, %add3A_112 : i32
      %mul3A_114 = arith.constant 32 : i32
      %mul3A_115 = arith.muli %add3A_113, %mul3A_114 : i32
      %add3A_116 = arith.addi %mul3A_115, %add3A : i32
      %lt3A_117 = arith.constant 2500 : i32
      %lt3A_118 = arith.cmpi slt, %add3A_116, %lt3A_117 : i32
      %convert_element_type3A_119 = arith.extui %lt3A_118 : i1 to i32
      %cond3A_120 = arith.constant 0 : i32
      %cond3A_121 = arith.cmpi ne, %convert_element_type3A_119, %cond3A_120 : i32
      scf.if %cond3A_121 {
        %dma_wait3A = arith.constant 0 : i32
        %dma_wait3A_176 = arith.constant 0 : i32
        %dma_wait3A_177 = arith.constant 0 : i32
        %dma_wait3A_178 = arith.constant 0 : i32
        %dma_wait3A_179 = arith.constant 0 : i32
        %dma_wait3A_180 = tpu.memref_slice %arg6[%dma_wait3A_176, %dma_wait3A_178, %dma_wait3A_179] : memref<3x2x128xi32, #tpu.memory_space<vmem>> -> memref<1x2x128xi32, #tpu.memory_space<vmem>>
        %dma_wait3A_181 = tpu.memref_squeeze %dma_wait3A_180 : memref<1x2x128xi32, #tpu.memory_space<vmem>> -> memref<2x128xi32, #tpu.memory_space<vmem>>
        %dma_wait3A_182 = arith.constant 0 : i32
        %dma_wait3A_183 = arith.constant 0 : i32
        %dma_wait3A_184 = tpu.memref_slice %arg3[%dma_wait3A, %dma_wait3A_182, %dma_wait3A_183] : memref<2500x2x128xi32, #tpu.memory_space<hbm>> -> memref<1x2x128xi32, #tpu.memory_space<hbm>>
        %dma_wait3A_185 = tpu.memref_squeeze %dma_wait3A_184 : memref<1x2x128xi32, #tpu.memory_space<hbm>> -> memref<2x128xi32, #tpu.memory_space<hbm>>
        %dma_wait3A_186 = tpu.memref_slice %arg9[%dma_wait3A_177] : memref<3x!tpu.dma_semaphore, #tpu.memory_space<semaphore_mem>> -> memref<1x!tpu.dma_semaphore, #tpu.memory_space<semaphore_mem>>
        %dma_wait3A_187 = tpu.memref_squeeze %dma_wait3A_186 : memref<1x!tpu.dma_semaphore, #tpu.memory_space<semaphore_mem>> -> memref<!tpu.dma_semaphore, #tpu.memory_space<semaphore_mem>>
        %dma_wait3A_188 = arith.constant 0 : i32
        %dma_wait3A_189 = arith.constant 0 : i32
        %dma_wait3A_190 = tpu.memref_slice %arg6[%dma_wait3A_176, %dma_wait3A_188, %dma_wait3A_189] : memref<3x2x128xi32, #tpu.memory_space<vmem>> -> memref<1x2x128xi32, #tpu.memory_space<vmem>>
        %dma_wait3A_191 = tpu.memref_squeeze %dma_wait3A_190 : memref<1x2x128xi32, #tpu.memory_space<vmem>> -> memref<2x128xi32, #tpu.memory_space<vmem>>
        %dma_wait3A_192 = arith.constant 0 : i32
        %dma_wait3A_193 = arith.constant 0 : i32
        %dma_wait3A_194 = tpu.memref_slice %arg3[%dma_wait3A, %dma_wait3A_192, %dma_wait3A_193] : memref<2500x2x128xi32, #tpu.memory_space<hbm>> -> memref<1x2x128xi32, #tpu.memory_space<hbm>>
        %dma_wait3A_195 = tpu.memref_squeeze %dma_wait3A_194 : memref<1x2x128xi32, #tpu.memory_space<hbm>> -> memref<2x128xi32, #tpu.memory_space<hbm>>
        tpu.wait_dma2 semaphore(%dma_wait3A_187 : memref<!tpu.dma_semaphore, #tpu.memory_space<semaphore_mem>>) src(%dma_wait3A_195 : memref<2x128xi32, #tpu.memory_space<hbm>>) dst(%dma_wait3A_191 : memref<2x128xi32, #tpu.memory_space<vmem>>)
        %dma_wait3A_196 = arith.constant 0 : i32
        %dma_wait3A_197 = arith.constant 0 : i32
        %dma_wait3A_198 = arith.constant 0 : i32
        %dma_wait3A_199 = arith.constant 0 : i32
        %dma_wait3A_200 = tpu.memref_slice %arg7[%dma_wait3A_196, %dma_wait3A_198, %dma_wait3A_199] : memref<3x128x128xf32, #tpu.memory_space<vmem>> -> memref<1x128x128xf32, #tpu.memory_space<vmem>>
        %dma_wait3A_201 = tpu.memref_squeeze %dma_wait3A_200 : memref<1x128x128xf32, #tpu.memory_space<vmem>> -> memref<128x128xf32, #tpu.memory_space<vmem>>
        %dma_wait3A_202 = arith.constant 0 : i32
        %dma_wait3A_203 = arith.constant 0 : i32
        %dma_wait3A_204 = tpu.memref_slice %arg2[%dma_wait3A_202, %dma_wait3A_203] : memref<320000x129xf32, #tpu.memory_space<hbm>> -> memref<128x128xf32, #tpu.memory_space<hbm>>
        %dma_wait3A_205 = tpu.memref_slice %arg10[%dma_wait3A_197] : memref<3x!tpu.dma_semaphore, #tpu.memory_space<semaphore_mem>> -> memref<1x!tpu.dma_semaphore, #tpu.memory_space<semaphore_mem>>
        %dma_wait3A_206 = tpu.memref_squeeze %dma_wait3A_205 : memref<1x!tpu.dma_semaphore, #tpu.memory_space<semaphore_mem>> -> memref<!tpu.dma_semaphore, #tpu.memory_space<semaphore_mem>>
        %dma_wait3A_207 = arith.constant 0 : i32
        %dma_wait3A_208 = arith.constant 0 : i32
        %dma_wait3A_209 = tpu.memref_slice %arg7[%dma_wait3A_196, %dma_wait3A_207, %dma_wait3A_208] : memref<3x128x128xf32, #tpu.memory_space<vmem>> -> memref<1x128x128xf32, #tpu.memory_space<vmem>>
        %dma_wait3A_210 = tpu.memref_squeeze %dma_wait3A_209 : memref<1x128x128xf32, #tpu.memory_space<vmem>> -> memref<128x128xf32, #tpu.memory_space<vmem>>
        %dma_wait3A_211 = arith.constant 0 : i32
        %dma_wait3A_212 = arith.constant 0 : i32
        %dma_wait3A_213 = tpu.memref_slice %arg2[%dma_wait3A_211, %dma_wait3A_212] : memref<320000x129xf32, #tpu.memory_space<hbm>> -> memref<128x128xf32, #tpu.memory_space<hbm>>
        tpu.wait_dma2 semaphore(%dma_wait3A_206 : memref<!tpu.dma_semaphore, #tpu.memory_space<semaphore_mem>>) src(%dma_wait3A_213 : memref<128x128xf32, #tpu.memory_space<hbm>>) dst(%dma_wait3A_210 : memref<128x128xf32, #tpu.memory_space<vmem>>)
        %get3A = arith.constant 0 : i32
        %get3A_214 = arith.constant 1 : i32
        %get3A_215 = arith.index_cast %get3A : i32 to index
        %get3A_216 = arith.index_cast %get3A_214 : i32 to index
        %get3A_217 = arith.constant 0 : index
        %get3A_218 = tpu.vector_load %arg6[%get3A_215, %get3A_216, %get3A_217] {strides = array<i32>} : memref<3x2x128xi32, #tpu.memory_space<vmem>>, vector<16xi32>,
        %bitcast3A = vector.bitcast %get3A_218 : vector<16xi32> to vector<16xf32>
        %add3A_219 = arith.constant 0 : i32
        %add3A_220 = vector.broadcast %add3A_219 : i32 to vector<16xi32>
        %add3A_221 = arith.addi %iota3A, %add3A_220 : vector<16xi32>
        %scatter3A = arith.constant 0 : i32
        %scatter3A_222 = arith.constant 0 : i32
        %scatter3A_223 = arith.constant 0 : i32
        %scatter3A_224 = tpu.memref_slice %arg7[%scatter3A, %scatter3A_222, %scatter3A_223] : memref<3x128x128xf32, #tpu.memory_space<vmem>> -> memref<1x128x128xf32, #tpu.memory_space<vmem>>
        %scatter3A_225 = tpu.memref_squeeze %scatter3A_224 : memref<1x128x128xf32, #tpu.memory_space<vmem>> -> memref<128x128xf32, #tpu.memory_space<vmem>>
        tpu.vector_store_idx %scatter3A_225[%add3A_221, %broadcast_in_dim3A_1], %bitcast3A : memref<128x128xf32, #tpu.memory_space<vmem>>[vector<16xi32>, vector<16xi32>], vector<16xf32>,
        %get3A_226 = arith.constant 0 : i32
        %get3A_227 = arith.constant 1 : i32
        %get3A_228 = arith.index_cast %get3A_226 : i32 to index
        %get3A_229 = arith.index_cast %get3A_227 : i32 to index
        %get3A_230 = arith.constant 16 : index
        %get3A_231 = tpu.vector_load %arg6[%get3A_228, %get3A_229, %get3A_230] {strides = array<i32>} : memref<3x2x128xi32, #tpu.memory_space<vmem>>, vector<16xi32>,
        %bitcast3A_232 = vector.bitcast %get3A_231 : vector<16xi32> to vector<16xf32>
        %add3A_233 = arith.constant 16 : i32
        %add3A_234 = vector.broadcast %add3A_233 : i32 to vector<16xi32>
        %add3A_235 = arith.addi %iota3A, %add3A_234 : vector<16xi32>
        %scatter3A_236 = arith.constant 0 : i32
        %scatter3A_237 = arith.constant 0 : i32
        %scatter3A_238 = arith.constant 0 : i32
        %scatter3A_239 = tpu.memref_slice %arg7[%scatter3A_236, %scatter3A_237, %scatter3A_238] : memref<3x128x128xf32, #tpu.memory_space<vmem>> -> memref<1x128x128xf32, #tpu.memory_space<vmem>>
        %scatter3A_240 = tpu.memref_squeeze %scatter3A_239 : memref<1x128x128xf32, #tpu.memory_space<vmem>> -> memref<128x128xf32, #tpu.memory_space<vmem>>
        tpu.vector_store_idx %scatter3A_240[%add3A_235, %broadcast_in_dim3A_1], %bitcast3A_232 : memref<128x128xf32, #tpu.memory_space<vmem>>[vector<16xi32>, vector<16xi32>], vector<16xf32>,
        %get3A_241 = arith.constant 0 : i32
        %get3A_242 = arith.constant 1 : i32
        %get3A_243 = arith.index_cast %get3A_241 : i32 to index
        %get3A_244 = arith.index_cast %get3A_242 : i32 to index
        %get3A_245 = arith.constant 32 : index
        %get3A_246 = tpu.vector_load %arg6[%get3A_243, %get3A_244, %get3A_245] {strides = array<i32>} : memref<3x2x128xi32, #tpu.memory_space<vmem>>, vector<16xi32>,
        %bitcast3A_247 = vector.bitcast %get3A_246 : vector<16xi32> to vector<16xf32>
        %add3A_248 = arith.constant 32 : i32
        %add3A_249 = vector.broadcast %add3A_248 : i32 to vector<16xi32>
        %add3A_250 = arith.addi %iota3A, %add3A_249 : vector<16xi32>
        %scatter3A_251 = arith.constant 0 : i32
        %scatter3A_252 = arith.constant 0 : i32
        %scatter3A_253 = arith.constant 0 : i32
        %scatter3A_254 = tpu.memref_slice %arg7[%scatter3A_251, %scatter3A_252, %scatter3A_253] : memref<3x128x128xf32, #tpu.memory_space<vmem>> -> memref<1x128x128xf32, #tpu.memory_space<vmem>>
        %scatter3A_255 = tpu.memref_squeeze %scatter3A_254 : memref<1x128x128xf32, #tpu.memory_space<vmem>> -> memref<128x128xf32, #tpu.memory_space<vmem>>
        tpu.vector_store_idx %scatter3A_255[%add3A_250, %broadcast_in_dim3A_1], %bitcast3A_247 : memref<128x128xf32, #tpu.memory_space<vmem>>[vector<16xi32>, vector<16xi32>], vector<16xf32>,
        %get3A_256 = arith.constant 0 : i32
        %get3A_257 = arith.constant 1 : i32
        %get3A_258 = arith.index_cast %get3A_256 : i32 to index
        %get3A_259 = arith.index_cast %get3A_257 : i32 to index
        %get3A_260 = arith.constant 48 : index
        %get3A_261 = tpu.vector_load %arg6[%get3A_258, %get3A_259, %get3A_260] {strides = array<i32>} : memref<3x2x128xi32, #tpu.memory_space<vmem>>, vector<16xi32>,
        %bitcast3A_262 = vector.bitcast %get3A_261 : vector<16xi32> to vector<16xf32>
        %add3A_263 = arith.constant 48 : i32
        %add3A_264 = vector.broadcast %add3A_263 : i32 to vector<16xi32>
        %add3A_265 = arith.addi %iota3A, %add3A_264 : vector<16xi32>
        %scatter3A_266 = arith.constant 0 : i32
        %scatter3A_267 = arith.constant 0 : i32
        %scatter3A_268 = arith.constant 0 : i32
        %scatter3A_269 = tpu.memref_slice %arg7[%scatter3A_266, %scatter3A_267, %scatter3A_268] : memref<3x128x128xf32, #tpu.memory_space<vmem>> -> memref<1x128x128xf32, #tpu.memory_space<vmem>>
        %scatter3A_270 = tpu.memref_squeeze %scatter3A_269 : memref<1x128x128xf32, #tpu.memory_space<vmem>> -> memref<128x128xf32, #tpu.memory_space<vmem>>
        tpu.vector_store_idx %scatter3A_270[%add3A_265, %broadcast_in_dim3A_1], %bitcast3A_262 : memref<128x128xf32, #tpu.memory_space<vmem>>[vector<16xi32>, vector<16xi32>], vector<16xf32>,
        %get3A_271 = arith.constant 0 : i32
        %get3A_272 = arith.constant 1 : i32
        %get3A_273 = arith.index_cast %get3A_271 : i32 to index
        %get3A_274 = arith.index_cast %get3A_272 : i32 to index
        %get3A_275 = arith.constant 64 : index
        %get3A_276 = tpu.vector_load %arg6[%get3A_273, %get3A_274, %get3A_275] {strides = array<i32>} : memref<3x2x128xi32, #tpu.memory_space<vmem>>, vector<16xi32>,
        %bitcast3A_277 = vector.bitcast %get3A_276 : vector<16xi32> to vector<16xf32>
        %add3A_278 = arith.constant 64 : i32
        %add3A_279 = vector.broadcast %add3A_278 : i32 to vector<16xi32>
        %add3A_280 = arith.addi %iota3A, %add3A_279 : vector<16xi32>
        %scatter3A_281 = arith.constant 0 : i32
        %scatter3A_282 = arith.constant 0 : i32
        %scatter3A_283 = arith.constant 0 : i32
        %scatter3A_284 = tpu.memref_slice %arg7[%scatter3A_281, %scatter3A_282, %scatter3A_283] : memref<3x128x128xf32, #tpu.memory_space<vmem>> -> memref<1x128x128xf32, #tpu.memory_space<vmem>>
        %scatter3A_285 = tpu.memref_squeeze %scatter3A_284 : memref<1x128x128xf32, #tpu.memory_space<vmem>> -> memref<128x128xf32, #tpu.memory_space<vmem>>
        tpu.vector_store_idx %scatter3A_285[%add3A_280, %broadcast_in_dim3A_1], %bitcast3A_277 : memref<128x128xf32, #tpu.memory_space<vmem>>[vector<16xi32>, vector<16xi32>], vector<16xf32>,
        %get3A_286 = arith.constant 0 : i32
        %get3A_287 = arith.constant 1 : i32
        %get3A_288 = arith.index_cast %get3A_286 : i32 to index
        %get3A_289 = arith.index_cast %get3A_287 : i32 to index
        %get3A_290 = arith.constant 80 : index
        %get3A_291 = tpu.vector_load %arg6[%get3A_288, %get3A_289, %get3A_290] {strides = array<i32>} : memref<3x2x128xi32, #tpu.memory_space<vmem>>, vector<16xi32>,
        %bitcast3A_292 = vector.bitcast %get3A_291 : vector<16xi32> to vector<16xf32>
        %add3A_293 = arith.constant 80 : i32
        %add3A_294 = vector.broadcast %add3A_293 : i32 to vector<16xi32>
        %add3A_295 = arith.addi %iota3A, %add3A_294 : vector<16xi32>
        %scatter3A_296 = arith.constant 0 : i32
        %scatter3A_297 = arith.constant 0 : i32
        %scatter3A_298 = arith.constant 0 : i32
        %scatter3A_299 = tpu.memref_slice %arg7[%scatter3A_296, %scatter3A_297, %scatter3A_298] : memref<3x128x128xf32, #tpu.memory_space<vmem>> -> memref<1x128x128xf32, #tpu.memory_space<vmem>>
        %scatter3A_300 = tpu.memref_squeeze %scatter3A_299 : memref<1x128x128xf32, #tpu.memory_space<vmem>> -> memref<128x128xf32, #tpu.memory_space<vmem>>
        tpu.vector_store_idx %scatter3A_300[%add3A_295, %broadcast_in_dim3A_1], %bitcast3A_292 : memref<128x128xf32, #tpu.memory_space<vmem>>[vector<16xi32>, vector<16xi32>], vector<16xf32>,
        %get3A_301 = arith.constant 0 : i32
        %get3A_302 = arith.constant 1 : i32
        %get3A_303 = arith.index_cast %get3A_301 : i32 to index
        %get3A_304 = arith.index_cast %get3A_302 : i32 to index
        %get3A_305 = arith.constant 96 : index
        %get3A_306 = tpu.vector_load %arg6[%get3A_303, %get3A_304, %get3A_305] {strides = array<i32>} : memref<3x2x128xi32, #tpu.memory_space<vmem>>, vector<16xi32>,
        %bitcast3A_307 = vector.bitcast %get3A_306 : vector<16xi32> to vector<16xf32>
        %add3A_308 = arith.constant 96 : i32
        %add3A_309 = vector.broadcast %add3A_308 : i32 to vector<16xi32>
        %add3A_310 = arith.addi %iota3A, %add3A_309 : vector<16xi32>
        %scatter3A_311 = arith.constant 0 : i32
        %scatter3A_312 = arith.constant 0 : i32
        %scatter3A_313 = arith.constant 0 : i32
        %scatter3A_314 = tpu.memref_slice %arg7[%scatter3A_311, %scatter3A_312, %scatter3A_313] : memref<3x128x128xf32, #tpu.memory_space<vmem>> -> memref<1x128x128xf32, #tpu.memory_space<vmem>>
        %scatter3A_315 = tpu.memref_squeeze %scatter3A_314 : memref<1x128x128xf32, #tpu.memory_space<vmem>> -> memref<128x128xf32, #tpu.memory_space<vmem>>
        tpu.vector_store_idx %scatter3A_315[%add3A_310, %broadcast_in_dim3A_1], %bitcast3A_307 : memref<128x128xf32, #tpu.memory_space<vmem>>[vector<16xi32>, vector<16xi32>], vector<16xf32>,
        %get3A_316 = arith.constant 0 : i32
        %get3A_317 = arith.constant 1 : i32
        %get3A_318 = arith.index_cast %get3A_316 : i32 to index
        %get3A_319 = arith.index_cast %get3A_317 : i32 to index
        %get3A_320 = arith.constant 112 : index
        %get3A_321 = tpu.vector_load %arg6[%get3A_318, %get3A_319, %get3A_320] {strides = array<i32>} : memref<3x2x128xi32, #tpu.memory_space<vmem>>, vector<16xi32>,
        %bitcast3A_322 = vector.bitcast %get3A_321 : vector<16xi32> to vector<16xf32>
        %add3A_323 = arith.constant 112 : i32
        %add3A_324 = vector.broadcast %add3A_323 : i32 to vector<16xi32>
        %add3A_325 = arith.addi %iota3A, %add3A_324 : vector<16xi32>
        %scatter3A_326 = arith.constant 0 : i32
        %scatter3A_327 = arith.constant 0 : i32
        %scatter3A_328 = arith.constant 0 : i32
        %scatter3A_329 = tpu.memref_slice %arg7[%scatter3A_326, %scatter3A_327, %scatter3A_328] : memref<3x128x128xf32, #tpu.memory_space<vmem>> -> memref<1x128x128xf32, #tpu.memory_space<vmem>>
        %scatter3A_330 = tpu.memref_squeeze %scatter3A_329 : memref<1x128x128xf32, #tpu.memory_space<vmem>> -> memref<128x128xf32, #tpu.memory_space<vmem>>
        tpu.vector_store_idx %scatter3A_330[%add3A_325, %broadcast_in_dim3A_1], %bitcast3A_322 : memref<128x128xf32, #tpu.memory_space<vmem>>[vector<16xi32>, vector<16xi32>], vector<16xf32>,
        %dma_start3A = arith.constant 0 : i32
        %dma_start3A_331 = arith.constant 0 : i32
        %dma_start3A_332 = arith.constant 0 : i32
        %dma_start3A_333 = arith.constant 0 : i32
        %dma_start3A_334 = arith.constant 0 : i32
        %dma_start3A_335 = arith.constant 0 : i32
        %dma_start3A_336 = tpu.memref_slice %arg7[%dma_start3A, %dma_start3A_334, %dma_start3A_335] : memref<3x128x128xf32, #tpu.memory_space<vmem>> -> memref<1x128x128xf32, #tpu.memory_space<vmem>>
        %dma_start3A_337 = tpu.memref_squeeze %dma_start3A_336 : memref<1x128x128xf32, #tpu.memory_space<vmem>> -> memref<128x128xf32, #tpu.memory_space<vmem>>
        %dma_start3A_338 = arith.constant 0 : i32
        %dma_start3A_339 = tpu.memref_slice %arg6[%dma_start3A_331, %dma_start3A_332, %dma_start3A_338] : memref<3x2x128xi32, #tpu.memory_space<vmem>> -> memref<1x1x128xi32, #tpu.memory_space<vmem>>
        %dma_start3A_340 = tpu.memref_squeeze %dma_start3A_339 : memref<1x1x128xi32, #tpu.memory_space<vmem>> -> memref<128xi32, #tpu.memory_space<vmem>>
        %dma_start3A_341 = arith.constant 0 : i32
        %dma_start3A_342 = arith.constant 0 : i32
        %dma_start3A_343 = tpu.memref_slice %arg8[%dma_start3A_341, %dma_start3A_342] : memref<10112x128xf32, #tpu.memory_space<vmem_shared>> -> memref<10112x128xf32, #tpu.memory_space<vmem_shared>>
        %dma_start3A_344 = tpu.memref_slice %arg11[%dma_start3A_333] : memref<3x!tpu.dma_semaphore, #tpu.memory_space<semaphore_mem>> -> memref<1x!tpu.dma_semaphore, #tpu.memory_space<semaphore_mem>>
        %dma_start3A_345 = tpu.memref_squeeze %dma_start3A_344 : memref<1x!tpu.dma_semaphore, #tpu.memory_space<semaphore_mem>> -> memref<!tpu.dma_semaphore, #tpu.memory_space<semaphore_mem>>
        tpu.enqueue_indirect_dma source(%dma_start3A_337 : memref<128x128xf32, #tpu.memory_space<vmem>>) target(%dma_start3A_343 : memref<10112x128xf32, #tpu.memory_space<vmem_shared>>) offsets(%dma_start3A_340 : memref<128xi32, #tpu.memory_space<vmem>>) semaphore(%dma_start3A_345 : memref<!tpu.dma_semaphore, #tpu.memory_space<semaphore_mem>>) {add = true}
      } else {
      }
      %add3A_122 = arith.constant 2 : i32
      %add3A_123 = arith.addi %add3A_113, %add3A_122 : i32
      %mul3A_124 = arith.constant 32 : i32
      %mul3A_125 = arith.muli %add3A_123, %mul3A_124 : i32
      %add3A_126 = arith.addi %mul3A_125, %add3A : i32
      %lt3A_127 = arith.constant 2500 : i32
      %lt3A_128 = arith.cmpi slt, %add3A_126, %lt3A_127 : i32
      %convert_element_type3A_129 = arith.extui %lt3A_128 : i1 to i32
      %cond3A_130 = arith.constant 0 : i32
      %cond3A_131 = arith.cmpi ne, %convert_element_type3A_129, %cond3A_130 : i32
      scf.if %cond3A_131 {
        %ge3A_176 = arith.constant 3 : i32
        %ge3A_177 = arith.cmpi sge, %add3A_123, %ge3A_176 : i32
        %convert_element_type3A_178 = arith.extui %ge3A_177 : i1 to i32
        %cond3A_179 = arith.constant 0 : i32
        %cond3A_180 = arith.cmpi ne, %convert_element_type3A_178, %cond3A_179 : i32
        scf.if %cond3A_180 {
          %dma_wait3A = arith.constant 2 : i32
          %dma_wait3A_189 = arith.constant 2 : i32
          %dma_wait3A_190 = arith.constant 0 : i32
          %dma_wait3A_191 = arith.constant 2 : i32
          %dma_wait3A_192 = arith.constant 0 : i32
          %dma_wait3A_193 = arith.constant 0 : i32
          %dma_wait3A_194 = tpu.memref_slice %arg7[%dma_wait3A, %dma_wait3A_192, %dma_wait3A_193] : memref<3x128x128xf32, #tpu.memory_space<vmem>> -> memref<1x128x128xf32, #tpu.memory_space<vmem>>
          %dma_wait3A_195 = tpu.memref_squeeze %dma_wait3A_194 : memref<1x128x128xf32, #tpu.memory_space<vmem>> -> memref<128x128xf32, #tpu.memory_space<vmem>>
          %dma_wait3A_196 = arith.constant 0 : i32
          %dma_wait3A_197 = tpu.memref_slice %arg6[%dma_wait3A_189, %dma_wait3A_190, %dma_wait3A_196] : memref<3x2x128xi32, #tpu.memory_space<vmem>> -> memref<1x1x128xi32, #tpu.memory_space<vmem>>
          %dma_wait3A_198 = tpu.memref_squeeze %dma_wait3A_197 : memref<1x1x128xi32, #tpu.memory_space<vmem>> -> memref<128xi32, #tpu.memory_space<vmem>>
          %dma_wait3A_199 = arith.constant 0 : i32
          %dma_wait3A_200 = arith.constant 0 : i32
          %dma_wait3A_201 = tpu.memref_slice %arg8[%dma_wait3A_199, %dma_wait3A_200] : memref<10112x128xf32, #tpu.memory_space<vmem_shared>> -> memref<10112x128xf32, #tpu.memory_space<vmem_shared>>
          %dma_wait3A_202 = tpu.memref_slice %arg11[%dma_wait3A_191] : memref<3x!tpu.dma_semaphore, #tpu.memory_space<semaphore_mem>> -> memref<1x!tpu.dma_semaphore, #tpu.memory_space<semaphore_mem>>
          %dma_wait3A_203 = tpu.memref_squeeze %dma_wait3A_202 : memref<1x!tpu.dma_semaphore, #tpu.memory_space<semaphore_mem>> -> memref<!tpu.dma_semaphore, #tpu.memory_space<semaphore_mem>>
          tpu.wait_indirect_dma semaphore(%dma_wait3A_203 : memref<!tpu.dma_semaphore, #tpu.memory_space<semaphore_mem>>) src(%dma_wait3A_195 : memref<128x128xf32, #tpu.memory_space<vmem>>) dst(%dma_wait3A_201 : memref<10112x128xf32, #tpu.memory_space<vmem_shared>>)
        } else {
        }
        %mul3A_181 = arith.constant 32 : i32
        %mul3A_182 = arith.muli %add3A_123, %mul3A_181 : i32
        %add3A_183 = arith.addi %mul3A_182, %add3A : i32
        %lt3A_184 = arith.constant 2500 : i32
        %lt3A_185 = arith.cmpi slt, %add3A_183, %lt3A_184 : i32
        %convert_element_type3A_186 = arith.extui %lt3A_185 : i1 to i32
        %cond3A_187 = arith.constant 0 : i32
        %cond3A_188 = arith.cmpi ne, %convert_element_type3A_186, %cond3A_187 : i32
        scf.if %cond3A_188 {
          %dma_start3A = arith.constant 2 : i32
          %dma_start3A_189 = arith.constant 2 : i32
          %dma_start3A_190 = arith.constant 0 : i32
          %dma_start3A_191 = arith.constant 0 : i32
          %dma_start3A_192 = tpu.memref_slice %arg6[%dma_start3A, %dma_start3A_190, %dma_start3A_191] : memref<3x2x128xi32, #tpu.memory_space<vmem>> -> memref<1x2x128xi32, #tpu.memory_space<vmem>>
          %dma_start3A_193 = tpu.memref_squeeze %dma_start3A_192 : memref<1x2x128xi32, #tpu.memory_space<vmem>> -> memref<2x128xi32, #tpu.memory_space<vmem>>
          %dma_start3A_194 = arith.constant 0 : i32
          %dma_start3A_195 = arith.constant 0 : i32
          %dma_start3A_196 = tpu.memref_slice %arg3[%add3A_183, %dma_start3A_194, %dma_start3A_195] : memref<2500x2x128xi32, #tpu.memory_space<hbm>> -> memref<1x2x128xi32, #tpu.memory_space<hbm>>
          %dma_start3A_197 = tpu.memref_squeeze %dma_start3A_196 : memref<1x2x128xi32, #tpu.memory_space<hbm>> -> memref<2x128xi32, #tpu.memory_space<hbm>>
          %dma_start3A_198 = tpu.memref_slice %arg9[%dma_start3A_189] : memref<3x!tpu.dma_semaphore, #tpu.memory_space<semaphore_mem>> -> memref<1x!tpu.dma_semaphore, #tpu.memory_space<semaphore_mem>>
          %dma_start3A_199 = tpu.memref_squeeze %dma_start3A_198 : memref<1x!tpu.dma_semaphore, #tpu.memory_space<semaphore_mem>> -> memref<!tpu.dma_semaphore, #tpu.memory_space<semaphore_mem>>
          %dma_start3A_200 = arith.constant 0 : i32
          %dma_start3A_201 = arith.constant 0 : i32
          %dma_start3A_202 = tpu.memref_slice %arg6[%dma_start3A, %dma_start3A_200, %dma_start3A_201] : memref<3x2x128xi32, #tpu.memory_space<vmem>> -> memref<1x2x128xi32, #tpu.memory_space<vmem>>
          %dma_start3A_203 = tpu.memref_squeeze %dma_start3A_202 : memref<1x2x128xi32, #tpu.memory_space<vmem>> -> memref<2x128xi32, #tpu.memory_space<vmem>>
          %dma_start3A_204 = arith.constant 0 : i32
          %dma_start3A_205 = arith.constant 0 : i32
          %dma_start3A_206 = tpu.memref_slice %arg3[%add3A_183, %dma_start3A_204, %dma_start3A_205] : memref<2500x2x128xi32, #tpu.memory_space<hbm>> -> memref<1x2x128xi32, #tpu.memory_space<hbm>>
          %dma_start3A_207 = tpu.memref_squeeze %dma_start3A_206 : memref<1x2x128xi32, #tpu.memory_space<hbm>> -> memref<2x128xi32, #tpu.memory_space<hbm>>
          tpu.enqueue_dma source(%dma_start3A_207 : memref<2x128xi32, #tpu.memory_space<hbm>>) target(%dma_start3A_203 : memref<2x128xi32, #tpu.memory_space<vmem>>) target_semaphore(%dma_start3A_199 : memref<!tpu.dma_semaphore, #tpu.memory_space<semaphore_mem>>)
          %mul3A_208 = arith.constant 128 : i32
          %mul3A_209 = arith.muli %add3A_183, %mul3A_208 : i32
          %dma_start3A_210 = arith.constant 2 : i32
          %dma_start3A_211 = arith.constant 2 : i32
          %dma_start3A_212 = arith.constant 0 : i32
          %dma_start3A_213 = arith.constant 0 : i32
          %dma_start3A_214 = tpu.memref_slice %arg7[%dma_start3A_210, %dma_start3A_212, %dma_start3A_213] : memref<3x128x128xf32, #tpu.memory_space<vmem>> -> memref<1x128x128xf32, #tpu.memory_space<vmem>>
          %dma_start3A_215 = tpu.memref_squeeze %dma_start3A_214 : memref<1x128x128xf32, #tpu.memory_space<vmem>> -> memref<128x128xf32, #tpu.memory_space<vmem>>
          %dma_start3A_216 = arith.constant 0 : i32
          %dma_start3A_217 = tpu.memref_slice %arg2[%mul3A_209, %dma_start3A_216] : memref<320000x129xf32, #tpu.memory_space<hbm>> -> memref<128x128xf32, #tpu.memory_space<hbm>>
          %dma_start3A_218 = tpu.memref_slice %arg10[%dma_start3A_211] : memref<3x!tpu.dma_semaphore, #tpu.memory_space<semaphore_mem>> -> memref<1x!tpu.dma_semaphore, #tpu.memory_space<semaphore_mem>>
          %dma_start3A_219 = tpu.memref_squeeze %dma_start3A_218 : memref<1x!tpu.dma_semaphore, #tpu.memory_space<semaphore_mem>> -> memref<!tpu.dma_semaphore, #tpu.memory_space<semaphore_mem>>
          %dma_start3A_220 = arith.constant 0 : i32
          %dma_start3A_221 = arith.constant 0 : i32
          %dma_start3A_222 = tpu.memref_slice %arg7[%dma_start3A_210, %dma_start3A_220, %dma_start3A_221] : memref<3x128x128xf32, #tpu.memory_space<vmem>> -> memref<1x128x128xf32, #tpu.memory_space<vmem>>
          %dma_start3A_223 = tpu.memref_squeeze %dma_start3A_222 : memref<1x128x128xf32, #tpu.memory_space<vmem>> -> memref<128x128xf32, #tpu.memory_space<vmem>>
          %dma_start3A_224 = arith.constant 0 : i32
          %dma_start3A_225 = tpu.memref_slice %arg2[%mul3A_209, %dma_start3A_224] : memref<320000x129xf32, #tpu.memory_space<hbm>> -> memref<128x128xf32, #tpu.memory_space<hbm>>
          tpu.enqueue_dma source(%dma_start3A_225 : memref<128x128xf32, #tpu.memory_space<hbm>>) target(%dma_start3A_223 : memref<128x128xf32, #tpu.memory_space<vmem>>) target_semaphore(%dma_start3A_219 : memref<!tpu.dma_semaphore, #tpu.memory_space<semaphore_mem>>)
        } else {
        }
      } else {
      }
      %mul3A_132 = arith.constant 3 : i32
      %mul3A_133 = arith.muli %scan3A_109, %mul3A_132 : i32
      %add3A_134 = arith.constant 1 : i32
      %add3A_135 = arith.addi %mul3A_133, %add3A_134 : i32
      %mul3A_136 = arith.constant 32 : i32
      %mul3A_137 = arith.muli %add3A_135, %mul3A_136 : i32
      %add3A_138 = arith.addi %mul3A_137, %add3A : i32
      %lt3A_139 = arith.constant 2500 : i32
      %lt3A_140 = arith.cmpi slt, %add3A_138, %lt3A_139 : i32
      %convert_element_type3A_141 = arith.extui %lt3A_140 : i1 to i32
      %cond3A_142 = arith.constant 0 : i32
      %cond3A_143 = arith.cmpi ne, %convert_element_type3A_141, %cond3A_142 : i32
      scf.if %cond3A_143 {
        %dma_wait3A = arith.constant 0 : i32
        %dma_wait3A_176 = arith.constant 1 : i32
        %dma_wait3A_177 = arith.constant 1 : i32
        %dma_wait3A_178 = arith.constant 0 : i32
        %dma_wait3A_179 = arith.constant 0 : i32
        %dma_wait3A_180 = tpu.memref_slice %arg6[%dma_wait3A_176, %dma_wait3A_178, %dma_wait3A_179] : memref<3x2x128xi32, #tpu.memory_space<vmem>> -> memref<1x2x128xi32, #tpu.memory_space<vmem>>
        %dma_wait3A_181 = tpu.memref_squeeze %dma_wait3A_180 : memref<1x2x128xi32, #tpu.memory_space<vmem>> -> memref<2x128xi32, #tpu.memory_space<vmem>>
        %dma_wait3A_182 = arith.constant 0 : i32
        %dma_wait3A_183 = arith.constant 0 : i32
        %dma_wait3A_184 = tpu.memref_slice %arg3[%dma_wait3A, %dma_wait3A_182, %dma_wait3A_183] : memref<2500x2x128xi32, #tpu.memory_space<hbm>> -> memref<1x2x128xi32, #tpu.memory_space<hbm>>
        %dma_wait3A_185 = tpu.memref_squeeze %dma_wait3A_184 : memref<1x2x128xi32, #tpu.memory_space<hbm>> -> memref<2x128xi32, #tpu.memory_space<hbm>>
        %dma_wait3A_186 = tpu.memref_slice %arg9[%dma_wait3A_177] : memref<3x!tpu.dma_semaphore, #tpu.memory_space<semaphore_mem>> -> memref<1x!tpu.dma_semaphore, #tpu.memory_space<semaphore_mem>>
        %dma_wait3A_187 = tpu.memref_squeeze %dma_wait3A_186 : memref<1x!tpu.dma_semaphore, #tpu.memory_space<semaphore_mem>> -> memref<!tpu.dma_semaphore, #tpu.memory_space<semaphore_mem>>
        %dma_wait3A_188 = arith.constant 0 : i32
        %dma_wait3A_189 = arith.constant 0 : i32
        %dma_wait3A_190 = tpu.memref_slice %arg6[%dma_wait3A_176, %dma_wait3A_188, %dma_wait3A_189] : memref<3x2x128xi32, #tpu.memory_space<vmem>> -> memref<1x2x128xi32, #tpu.memory_space<vmem>>
        %dma_wait3A_191 = tpu.memref_squeeze %dma_wait3A_190 : memref<1x2x128xi32, #tpu.memory_space<vmem>> -> memref<2x128xi32, #tpu.memory_space<vmem>>
        %dma_wait3A_192 = arith.constant 0 : i32
        %dma_wait3A_193 = arith.constant 0 : i32
        %dma_wait3A_194 = tpu.memref_slice %arg3[%dma_wait3A, %dma_wait3A_192, %dma_wait3A_193] : memref<2500x2x128xi32, #tpu.memory_space<hbm>> -> memref<1x2x128xi32, #tpu.memory_space<hbm>>
        %dma_wait3A_195 = tpu.memref_squeeze %dma_wait3A_194 : memref<1x2x128xi32, #tpu.memory_space<hbm>> -> memref<2x128xi32, #tpu.memory_space<hbm>>
        tpu.wait_dma2 semaphore(%dma_wait3A_187 : memref<!tpu.dma_semaphore, #tpu.memory_space<semaphore_mem>>) src(%dma_wait3A_195 : memref<2x128xi32, #tpu.memory_space<hbm>>) dst(%dma_wait3A_191 : memref<2x128xi32, #tpu.memory_space<vmem>>)
        %dma_wait3A_196 = arith.constant 1 : i32
        %dma_wait3A_197 = arith.constant 1 : i32
        %dma_wait3A_198 = arith.constant 0 : i32
        %dma_wait3A_199 = arith.constant 0 : i32
        %dma_wait3A_200 = tpu.memref_slice %arg7[%dma_wait3A_196, %dma_wait3A_198, %dma_wait3A_199] : memref<3x128x128xf32, #tpu.memory_space<vmem>> -> memref<1x128x128xf32, #tpu.memory_space<vmem>>
        %dma_wait3A_201 = tpu.memref_squeeze %dma_wait3A_200 : memref<1x128x128xf32, #tpu.memory_space<vmem>> -> memref<128x128xf32, #tpu.memory_space<vmem>>
        %dma_wait3A_202 = arith.constant 0 : i32
        %dma_wait3A_203 = arith.constant 0 : i32
        %dma_wait3A_204 = tpu.memref_slice %arg2[%dma_wait3A_202, %dma_wait3A_203] : memref<320000x129xf32, #tpu.memory_space<hbm>> -> memref<128x128xf32, #tpu.memory_space<hbm>>
        %dma_wait3A_205 = tpu.memref_slice %arg10[%dma_wait3A_197] : memref<3x!tpu.dma_semaphore, #tpu.memory_space<semaphore_mem>> -> memref<1x!tpu.dma_semaphore, #tpu.memory_space<semaphore_mem>>
        %dma_wait3A_206 = tpu.memref_squeeze %dma_wait3A_205 : memref<1x!tpu.dma_semaphore, #tpu.memory_space<semaphore_mem>> -> memref<!tpu.dma_semaphore, #tpu.memory_space<semaphore_mem>>
        %dma_wait3A_207 = arith.constant 0 : i32
        %dma_wait3A_208 = arith.constant 0 : i32
        %dma_wait3A_209 = tpu.memref_slice %arg7[%dma_wait3A_196, %dma_wait3A_207, %dma_wait3A_208] : memref<3x128x128xf32, #tpu.memory_space<vmem>> -> memref<1x128x128xf32, #tpu.memory_space<vmem>>
        %dma_wait3A_210 = tpu.memref_squeeze %dma_wait3A_209 : memref<1x128x128xf32, #tpu.memory_space<vmem>> -> memref<128x128xf32, #tpu.memory_space<vmem>>
        %dma_wait3A_211 = arith.constant 0 : i32
        %dma_wait3A_212 = arith.constant 0 : i32
        %dma_wait3A_213 = tpu.memref_slice %arg2[%dma_wait3A_211, %dma_wait3A_212] : memref<320000x129xf32, #tpu.memory_space<hbm>> -> memref<128x128xf32, #tpu.memory_space<hbm>>
        tpu.wait_dma2 semaphore(%dma_wait3A_206 : memref<!tpu.dma_semaphore, #tpu.memory_space<semaphore_mem>>) src(%dma_wait3A_213 : memref<128x128xf32, #tpu.memory_space<hbm>>) dst(%dma_wait3A_210 : memref<128x128xf32, #tpu.memory_space<vmem>>)
        %get3A = arith.constant 1 : i32
        %get3A_214 = arith.constant 1 : i32
        %get3A_215 = arith.index_cast %get3A : i32 to index
        %get3A_216 = arith.index_cast %get3A_214 : i32 to index
        %get3A_217 = arith.constant 0 : index
        %get3A_218 = tpu.vector_load %arg6[%get3A_215, %get3A_216, %get3A_217] {strides = array<i32>} : memref<3x2x128xi32, #tpu.memory_space<vmem>>, vector<16xi32>,
        %bitcast3A = vector.bitcast %get3A_218 : vector<16xi32> to vector<16xf32>
        %add3A_219 = arith.constant 0 : i32
        %add3A_220 = vector.broadcast %add3A_219 : i32 to vector<16xi32>
        %add3A_221 = arith.addi %iota3A, %add3A_220 : vector<16xi32>
        %scatter3A = arith.constant 1 : i32
        %scatter3A_222 = arith.constant 0 : i32
        %scatter3A_223 = arith.constant 0 : i32
        %scatter3A_224 = tpu.memref_slice %arg7[%scatter3A, %scatter3A_222, %scatter3A_223] : memref<3x128x128xf32, #tpu.memory_space<vmem>> -> memref<1x128x128xf32, #tpu.memory_space<vmem>>
        %scatter3A_225 = tpu.memref_squeeze %scatter3A_224 : memref<1x128x128xf32, #tpu.memory_space<vmem>> -> memref<128x128xf32, #tpu.memory_space<vmem>>
        tpu.vector_store_idx %scatter3A_225[%add3A_221, %broadcast_in_dim3A_1], %bitcast3A : memref<128x128xf32, #tpu.memory_space<vmem>>[vector<16xi32>, vector<16xi32>], vector<16xf32>,
        %get3A_226 = arith.constant 1 : i32
        %get3A_227 = arith.constant 1 : i32
        %get3A_228 = arith.index_cast %get3A_226 : i32 to index
        %get3A_229 = arith.index_cast %get3A_227 : i32 to index
        %get3A_230 = arith.constant 16 : index
        %get3A_231 = tpu.vector_load %arg6[%get3A_228, %get3A_229, %get3A_230] {strides = array<i32>} : memref<3x2x128xi32, #tpu.memory_space<vmem>>, vector<16xi32>,
        %bitcast3A_232 = vector.bitcast %get3A_231 : vector<16xi32> to vector<16xf32>
        %add3A_233 = arith.constant 16 : i32
        %add3A_234 = vector.broadcast %add3A_233 : i32 to vector<16xi32>
        %add3A_235 = arith.addi %iota3A, %add3A_234 : vector<16xi32>
        %scatter3A_236 = arith.constant 1 : i32
        %scatter3A_237 = arith.constant 0 : i32
        %scatter3A_238 = arith.constant 0 : i32
        %scatter3A_239 = tpu.memref_slice %arg7[%scatter3A_236, %scatter3A_237, %scatter3A_238] : memref<3x128x128xf32, #tpu.memory_space<vmem>> -> memref<1x128x128xf32, #tpu.memory_space<vmem>>
        %scatter3A_240 = tpu.memref_squeeze %scatter3A_239 : memref<1x128x128xf32, #tpu.memory_space<vmem>> -> memref<128x128xf32, #tpu.memory_space<vmem>>
        tpu.vector_store_idx %scatter3A_240[%add3A_235, %broadcast_in_dim3A_1], %bitcast3A_232 : memref<128x128xf32, #tpu.memory_space<vmem>>[vector<16xi32>, vector<16xi32>], vector<16xf32>,
        %get3A_241 = arith.constant 1 : i32
        %get3A_242 = arith.constant 1 : i32
        %get3A_243 = arith.index_cast %get3A_241 : i32 to index
        %get3A_244 = arith.index_cast %get3A_242 : i32 to index
        %get3A_245 = arith.constant 32 : index
        %get3A_246 = tpu.vector_load %arg6[%get3A_243, %get3A_244, %get3A_245] {strides = array<i32>} : memref<3x2x128xi32, #tpu.memory_space<vmem>>, vector<16xi32>,
        %bitcast3A_247 = vector.bitcast %get3A_246 : vector<16xi32> to vector<16xf32>
        %add3A_248 = arith.constant 32 : i32
        %add3A_249 = vector.broadcast %add3A_248 : i32 to vector<16xi32>
        %add3A_250 = arith.addi %iota3A, %add3A_249 : vector<16xi32>
        %scatter3A_251 = arith.constant 1 : i32
        %scatter3A_252 = arith.constant 0 : i32
        %scatter3A_253 = arith.constant 0 : i32
        %scatter3A_254 = tpu.memref_slice %arg7[%scatter3A_251, %scatter3A_252, %scatter3A_253] : memref<3x128x128xf32, #tpu.memory_space<vmem>> -> memref<1x128x128xf32, #tpu.memory_space<vmem>>
        %scatter3A_255 = tpu.memref_squeeze %scatter3A_254 : memref<1x128x128xf32, #tpu.memory_space<vmem>> -> memref<128x128xf32, #tpu.memory_space<vmem>>
        tpu.vector_store_idx %scatter3A_255[%add3A_250, %broadcast_in_dim3A_1], %bitcast3A_247 : memref<128x128xf32, #tpu.memory_space<vmem>>[vector<16xi32>, vector<16xi32>], vector<16xf32>,
        %get3A_256 = arith.constant 1 : i32
        %get3A_257 = arith.constant 1 : i32
        %get3A_258 = arith.index_cast %get3A_256 : i32 to index
        %get3A_259 = arith.index_cast %get3A_257 : i32 to index
        %get3A_260 = arith.constant 48 : index
        %get3A_261 = tpu.vector_load %arg6[%get3A_258, %get3A_259, %get3A_260] {strides = array<i32>} : memref<3x2x128xi32, #tpu.memory_space<vmem>>, vector<16xi32>,
        %bitcast3A_262 = vector.bitcast %get3A_261 : vector<16xi32> to vector<16xf32>
        %add3A_263 = arith.constant 48 : i32
        %add3A_264 = vector.broadcast %add3A_263 : i32 to vector<16xi32>
        %add3A_265 = arith.addi %iota3A, %add3A_264 : vector<16xi32>
        %scatter3A_266 = arith.constant 1 : i32
        %scatter3A_267 = arith.constant 0 : i32
        %scatter3A_268 = arith.constant 0 : i32
        %scatter3A_269 = tpu.memref_slice %arg7[%scatter3A_266, %scatter3A_267, %scatter3A_268] : memref<3x128x128xf32, #tpu.memory_space<vmem>> -> memref<1x128x128xf32, #tpu.memory_space<vmem>>
        %scatter3A_270 = tpu.memref_squeeze %scatter3A_269 : memref<1x128x128xf32, #tpu.memory_space<vmem>> -> memref<128x128xf32, #tpu.memory_space<vmem>>
        tpu.vector_store_idx %scatter3A_270[%add3A_265, %broadcast_in_dim3A_1], %bitcast3A_262 : memref<128x128xf32, #tpu.memory_space<vmem>>[vector<16xi32>, vector<16xi32>], vector<16xf32>,
        %get3A_271 = arith.constant 1 : i32
        %get3A_272 = arith.constant 1 : i32
        %get3A_273 = arith.index_cast %get3A_271 : i32 to index
        %get3A_274 = arith.index_cast %get3A_272 : i32 to index
        %get3A_275 = arith.constant 64 : index
        %get3A_276 = tpu.vector_load %arg6[%get3A_273, %get3A_274, %get3A_275] {strides = array<i32>} : memref<3x2x128xi32, #tpu.memory_space<vmem>>, vector<16xi32>,
        %bitcast3A_277 = vector.bitcast %get3A_276 : vector<16xi32> to vector<16xf32>
        %add3A_278 = arith.constant 64 : i32
        %add3A_279 = vector.broadcast %add3A_278 : i32 to vector<16xi32>
        %add3A_280 = arith.addi %iota3A, %add3A_279 : vector<16xi32>
        %scatter3A_281 = arith.constant 1 : i32
        %scatter3A_282 = arith.constant 0 : i32
        %scatter3A_283 = arith.constant 0 : i32
        %scatter3A_284 = tpu.memref_slice %arg7[%scatter3A_281, %scatter3A_282, %scatter3A_283] : memref<3x128x128xf32, #tpu.memory_space<vmem>> -> memref<1x128x128xf32, #tpu.memory_space<vmem>>
        %scatter3A_285 = tpu.memref_squeeze %scatter3A_284 : memref<1x128x128xf32, #tpu.memory_space<vmem>> -> memref<128x128xf32, #tpu.memory_space<vmem>>
        tpu.vector_store_idx %scatter3A_285[%add3A_280, %broadcast_in_dim3A_1], %bitcast3A_277 : memref<128x128xf32, #tpu.memory_space<vmem>>[vector<16xi32>, vector<16xi32>], vector<16xf32>,
        %get3A_286 = arith.constant 1 : i32
        %get3A_287 = arith.constant 1 : i32
        %get3A_288 = arith.index_cast %get3A_286 : i32 to index
        %get3A_289 = arith.index_cast %get3A_287 : i32 to index
        %get3A_290 = arith.constant 80 : index
        %get3A_291 = tpu.vector_load %arg6[%get3A_288, %get3A_289, %get3A_290] {strides = array<i32>} : memref<3x2x128xi32, #tpu.memory_space<vmem>>, vector<16xi32>,
        %bitcast3A_292 = vector.bitcast %get3A_291 : vector<16xi32> to vector<16xf32>
        %add3A_293 = arith.constant 80 : i32
        %add3A_294 = vector.broadcast %add3A_293 : i32 to vector<16xi32>
        %add3A_295 = arith.addi %iota3A, %add3A_294 : vector<16xi32>
        %scatter3A_296 = arith.constant 1 : i32
        %scatter3A_297 = arith.constant 0 : i32
        %scatter3A_298 = arith.constant 0 : i32
        %scatter3A_299 = tpu.memref_slice %arg7[%scatter3A_296, %scatter3A_297, %scatter3A_298] : memref<3x128x128xf32, #tpu.memory_space<vmem>> -> memref<1x128x128xf32, #tpu.memory_space<vmem>>
        %scatter3A_300 = tpu.memref_squeeze %scatter3A_299 : memref<1x128x128xf32, #tpu.memory_space<vmem>> -> memref<128x128xf32, #tpu.memory_space<vmem>>
        tpu.vector_store_idx %scatter3A_300[%add3A_295, %broadcast_in_dim3A_1], %bitcast3A_292 : memref<128x128xf32, #tpu.memory_space<vmem>>[vector<16xi32>, vector<16xi32>], vector<16xf32>,
        %get3A_301 = arith.constant 1 : i32
        %get3A_302 = arith.constant 1 : i32
        %get3A_303 = arith.index_cast %get3A_301 : i32 to index
        %get3A_304 = arith.index_cast %get3A_302 : i32 to index
        %get3A_305 = arith.constant 96 : index
        %get3A_306 = tpu.vector_load %arg6[%get3A_303, %get3A_304, %get3A_305] {strides = array<i32>} : memref<3x2x128xi32, #tpu.memory_space<vmem>>, vector<16xi32>,
        %bitcast3A_307 = vector.bitcast %get3A_306 : vector<16xi32> to vector<16xf32>
        %add3A_308 = arith.constant 96 : i32
        %add3A_309 = vector.broadcast %add3A_308 : i32 to vector<16xi32>
        %add3A_310 = arith.addi %iota3A, %add3A_309 : vector<16xi32>
        %scatter3A_311 = arith.constant 1 : i32
        %scatter3A_312 = arith.constant 0 : i32
        %scatter3A_313 = arith.constant 0 : i32
        %scatter3A_314 = tpu.memref_slice %arg7[%scatter3A_311, %scatter3A_312, %scatter3A_313] : memref<3x128x128xf32, #tpu.memory_space<vmem>> -> memref<1x128x128xf32, #tpu.memory_space<vmem>>
        %scatter3A_315 = tpu.memref_squeeze %scatter3A_314 : memref<1x128x128xf32, #tpu.memory_space<vmem>> -> memref<128x128xf32, #tpu.memory_space<vmem>>
        tpu.vector_store_idx %scatter3A_315[%add3A_310, %broadcast_in_dim3A_1], %bitcast3A_307 : memref<128x128xf32, #tpu.memory_space<vmem>>[vector<16xi32>, vector<16xi32>], vector<16xf32>,
        %get3A_316 = arith.constant 1 : i32
        %get3A_317 = arith.constant 1 : i32
        %get3A_318 = arith.index_cast %get3A_316 : i32 to index
        %get3A_319 = arith.index_cast %get3A_317 : i32 to index
        %get3A_320 = arith.constant 112 : index
        %get3A_321 = tpu.vector_load %arg6[%get3A_318, %get3A_319, %get3A_320] {strides = array<i32>} : memref<3x2x128xi32, #tpu.memory_space<vmem>>, vector<16xi32>,
        %bitcast3A_322 = vector.bitcast %get3A_321 : vector<16xi32> to vector<16xf32>
        %add3A_323 = arith.constant 112 : i32
        %add3A_324 = vector.broadcast %add3A_323 : i32 to vector<16xi32>
        %add3A_325 = arith.addi %iota3A, %add3A_324 : vector<16xi32>
        %scatter3A_326 = arith.constant 1 : i32
        %scatter3A_327 = arith.constant 0 : i32
        %scatter3A_328 = arith.constant 0 : i32
        %scatter3A_329 = tpu.memref_slice %arg7[%scatter3A_326, %scatter3A_327, %scatter3A_328] : memref<3x128x128xf32, #tpu.memory_space<vmem>> -> memref<1x128x128xf32, #tpu.memory_space<vmem>>
        %scatter3A_330 = tpu.memref_squeeze %scatter3A_329 : memref<1x128x128xf32, #tpu.memory_space<vmem>> -> memref<128x128xf32, #tpu.memory_space<vmem>>
        tpu.vector_store_idx %scatter3A_330[%add3A_325, %broadcast_in_dim3A_1], %bitcast3A_322 : memref<128x128xf32, #tpu.memory_space<vmem>>[vector<16xi32>, vector<16xi32>], vector<16xf32>,
        %dma_start3A = arith.constant 1 : i32
        %dma_start3A_331 = arith.constant 1 : i32
        %dma_start3A_332 = arith.constant 0 : i32
        %dma_start3A_333 = arith.constant 1 : i32
        %dma_start3A_334 = arith.constant 0 : i32
        %dma_start3A_335 = arith.constant 0 : i32
        %dma_start3A_336 = tpu.memref_slice %arg7[%dma_start3A, %dma_start3A_334, %dma_start3A_335] : memref<3x128x128xf32, #tpu.memory_space<vmem>> -> memref<1x128x128xf32, #tpu.memory_space<vmem>>
        %dma_start3A_337 = tpu.memref_squeeze %dma_start3A_336 : memref<1x128x128xf32, #tpu.memory_space<vmem>> -> memref<128x128xf32, #tpu.memory_space<vmem>>
        %dma_start3A_338 = arith.constant 0 : i32
        %dma_start3A_339 = tpu.memref_slice %arg6[%dma_start3A_331, %dma_start3A_332, %dma_start3A_338] : memref<3x2x128xi32, #tpu.memory_space<vmem>> -> memref<1x1x128xi32, #tpu.memory_space<vmem>>
        %dma_start3A_340 = tpu.memref_squeeze %dma_start3A_339 : memref<1x1x128xi32, #tpu.memory_space<vmem>> -> memref<128xi32, #tpu.memory_space<vmem>>
        %dma_start3A_341 = arith.constant 0 : i32
        %dma_start3A_342 = arith.constant 0 : i32
        %dma_start3A_343 = tpu.memref_slice %arg8[%dma_start3A_341, %dma_start3A_342] : memref<10112x128xf32, #tpu.memory_space<vmem_shared>> -> memref<10112x128xf32, #tpu.memory_space<vmem_shared>>
        %dma_start3A_344 = tpu.memref_slice %arg11[%dma_start3A_333] : memref<3x!tpu.dma_semaphore, #tpu.memory_space<semaphore_mem>> -> memref<1x!tpu.dma_semaphore, #tpu.memory_space<semaphore_mem>>
        %dma_start3A_345 = tpu.memref_squeeze %dma_start3A_344 : memref<1x!tpu.dma_semaphore, #tpu.memory_space<semaphore_mem>> -> memref<!tpu.dma_semaphore, #tpu.memory_space<semaphore_mem>>
        tpu.enqueue_indirect_dma source(%dma_start3A_337 : memref<128x128xf32, #tpu.memory_space<vmem>>) target(%dma_start3A_343 : memref<10112x128xf32, #tpu.memory_space<vmem_shared>>) offsets(%dma_start3A_340 : memref<128xi32, #tpu.memory_space<vmem>>) semaphore(%dma_start3A_345 : memref<!tpu.dma_semaphore, #tpu.memory_space<semaphore_mem>>) {add = true}
      } else {
      }
      %add3A_144 = arith.constant 2 : i32
      %add3A_145 = arith.addi %add3A_135, %add3A_144 : i32
      %mul3A_146 = arith.constant 32 : i32
      %mul3A_147 = arith.muli %add3A_145, %mul3A_146 : i32
      %add3A_148 = arith.addi %mul3A_147, %add3A : i32
      %lt3A_149 = arith.constant 2500 : i32
      %lt3A_150 = arith.cmpi slt, %add3A_148, %lt3A_149 : i32
      %convert_element_type3A_151 = arith.extui %lt3A_150 : i1 to i32
      %cond3A_152 = arith.constant 0 : i32
      %cond3A_153 = arith.cmpi ne, %convert_element_type3A_151, %cond3A_152 : i32
      scf.if %cond3A_153 {
        %ge3A_176 = arith.constant 3 : i32
        %ge3A_177 = arith.cmpi sge, %add3A_145, %ge3A_176 : i32
        %convert_element_type3A_178 = arith.extui %ge3A_177 : i1 to i32
        %cond3A_179 = arith.constant 0 : i32
        %cond3A_180 = arith.cmpi ne, %convert_element_type3A_178, %cond3A_179 : i32
        scf.if %cond3A_180 {
          %dma_wait3A = arith.constant 0 : i32
          %dma_wait3A_189 = arith.constant 0 : i32
          %dma_wait3A_190 = arith.constant 0 : i32
          %dma_wait3A_191 = arith.constant 0 : i32
          %dma_wait3A_192 = arith.constant 0 : i32
          %dma_wait3A_193 = arith.constant 0 : i32
          %dma_wait3A_194 = tpu.memref_slice %arg7[%dma_wait3A, %dma_wait3A_192, %dma_wait3A_193] : memref<3x128x128xf32, #tpu.memory_space<vmem>> -> memref<1x128x128xf32, #tpu.memory_space<vmem>>
          %dma_wait3A_195 = tpu.memref_squeeze %dma_wait3A_194 : memref<1x128x128xf32, #tpu.memory_space<vmem>> -> memref<128x128xf32, #tpu.memory_space<vmem>>
          %dma_wait3A_196 = arith.constant 0 : i32
          %dma_wait3A_197 = tpu.memref_slice %arg6[%dma_wait3A_189, %dma_wait3A_190, %dma_wait3A_196] : memref<3x2x128xi32, #tpu.memory_space<vmem>> -> memref<1x1x128xi32, #tpu.memory_space<vmem>>
          %dma_wait3A_198 = tpu.memref_squeeze %dma_wait3A_197 : memref<1x1x128xi32, #tpu.memory_space<vmem>> -> memref<128xi32, #tpu.memory_space<vmem>>
          %dma_wait3A_199 = arith.constant 0 : i32
          %dma_wait3A_200 = arith.constant 0 : i32
          %dma_wait3A_201 = tpu.memref_slice %arg8[%dma_wait3A_199, %dma_wait3A_200] : memref<10112x128xf32, #tpu.memory_space<vmem_shared>> -> memref<10112x128xf32, #tpu.memory_space<vmem_shared>>
          %dma_wait3A_202 = tpu.memref_slice %arg11[%dma_wait3A_191] : memref<3x!tpu.dma_semaphore, #tpu.memory_space<semaphore_mem>> -> memref<1x!tpu.dma_semaphore, #tpu.memory_space<semaphore_mem>>
          %dma_wait3A_203 = tpu.memref_squeeze %dma_wait3A_202 : memref<1x!tpu.dma_semaphore, #tpu.memory_space<semaphore_mem>> -> memref<!tpu.dma_semaphore, #tpu.memory_space<semaphore_mem>>
          tpu.wait_indirect_dma semaphore(%dma_wait3A_203 : memref<!tpu.dma_semaphore, #tpu.memory_space<semaphore_mem>>) src(%dma_wait3A_195 : memref<128x128xf32, #tpu.memory_space<vmem>>) dst(%dma_wait3A_201 : memref<10112x128xf32, #tpu.memory_space<vmem_shared>>)
        } else {
        }
        %mul3A_181 = arith.constant 32 : i32
        %mul3A_182 = arith.muli %add3A_145, %mul3A_181 : i32
        %add3A_183 = arith.addi %mul3A_182, %add3A : i32
        %lt3A_184 = arith.constant 2500 : i32
        %lt3A_185 = arith.cmpi slt, %add3A_183, %lt3A_184 : i32
        %convert_element_type3A_186 = arith.extui %lt3A_185 : i1 to i32
        %cond3A_187 = arith.constant 0 : i32
        %cond3A_188 = arith.cmpi ne, %convert_element_type3A_186, %cond3A_187 : i32
        scf.if %cond3A_188 {
          %dma_start3A = arith.constant 0 : i32
          %dma_start3A_189 = arith.constant 0 : i32
          %dma_start3A_190 = arith.constant 0 : i32
          %dma_start3A_191 = arith.constant 0 : i32
          %dma_start3A_192 = tpu.memref_slice %arg6[%dma_start3A, %dma_start3A_190, %dma_start3A_191] : memref<3x2x128xi32, #tpu.memory_space<vmem>> -> memref<1x2x128xi32, #tpu.memory_space<vmem>>
          %dma_start3A_193 = tpu.memref_squeeze %dma_start3A_192 : memref<1x2x128xi32, #tpu.memory_space<vmem>> -> memref<2x128xi32, #tpu.memory_space<vmem>>
          %dma_start3A_194 = arith.constant 0 : i32
          %dma_start3A_195 = arith.constant 0 : i32
          %dma_start3A_196 = tpu.memref_slice %arg3[%add3A_183, %dma_start3A_194, %dma_start3A_195] : memref<2500x2x128xi32, #tpu.memory_space<hbm>> -> memref<1x2x128xi32, #tpu.memory_space<hbm>>
          %dma_start3A_197 = tpu.memref_squeeze %dma_start3A_196 : memref<1x2x128xi32, #tpu.memory_space<hbm>> -> memref<2x128xi32, #tpu.memory_space<hbm>>
          %dma_start3A_198 = tpu.memref_slice %arg9[%dma_start3A_189] : memref<3x!tpu.dma_semaphore, #tpu.memory_space<semaphore_mem>> -> memref<1x!tpu.dma_semaphore, #tpu.memory_space<semaphore_mem>>
          %dma_start3A_199 = tpu.memref_squeeze %dma_start3A_198 : memref<1x!tpu.dma_semaphore, #tpu.memory_space<semaphore_mem>> -> memref<!tpu.dma_semaphore, #tpu.memory_space<semaphore_mem>>
          %dma_start3A_200 = arith.constant 0 : i32
          %dma_start3A_201 = arith.constant 0 : i32
          %dma_start3A_202 = tpu.memref_slice %arg6[%dma_start3A, %dma_start3A_200, %dma_start3A_201] : memref<3x2x128xi32, #tpu.memory_space<vmem>> -> memref<1x2x128xi32, #tpu.memory_space<vmem>>
          %dma_start3A_203 = tpu.memref_squeeze %dma_start3A_202 : memref<1x2x128xi32, #tpu.memory_space<vmem>> -> memref<2x128xi32, #tpu.memory_space<vmem>>
          %dma_start3A_204 = arith.constant 0 : i32
          %dma_start3A_205 = arith.constant 0 : i32
          %dma_start3A_206 = tpu.memref_slice %arg3[%add3A_183, %dma_start3A_204, %dma_start3A_205] : memref<2500x2x128xi32, #tpu.memory_space<hbm>> -> memref<1x2x128xi32, #tpu.memory_space<hbm>>
          %dma_start3A_207 = tpu.memref_squeeze %dma_start3A_206 : memref<1x2x128xi32, #tpu.memory_space<hbm>> -> memref<2x128xi32, #tpu.memory_space<hbm>>
          tpu.enqueue_dma source(%dma_start3A_207 : memref<2x128xi32, #tpu.memory_space<hbm>>) target(%dma_start3A_203 : memref<2x128xi32, #tpu.memory_space<vmem>>) target_semaphore(%dma_start3A_199 : memref<!tpu.dma_semaphore, #tpu.memory_space<semaphore_mem>>)
          %mul3A_208 = arith.constant 128 : i32
          %mul3A_209 = arith.muli %add3A_183, %mul3A_208 : i32
          %dma_start3A_210 = arith.constant 0 : i32
          %dma_start3A_211 = arith.constant 0 : i32
          %dma_start3A_212 = arith.constant 0 : i32
          %dma_start3A_213 = arith.constant 0 : i32
          %dma_start3A_214 = tpu.memref_slice %arg7[%dma_start3A_210, %dma_start3A_212, %dma_start3A_213] : memref<3x128x128xf32, #tpu.memory_space<vmem>> -> memref<1x128x128xf32, #tpu.memory_space<vmem>>
          %dma_start3A_215 = tpu.memref_squeeze %dma_start3A_214 : memref<1x128x128xf32, #tpu.memory_space<vmem>> -> memref<128x128xf32, #tpu.memory_space<vmem>>
          %dma_start3A_216 = arith.constant 0 : i32
          %dma_start3A_217 = tpu.memref_slice %arg2[%mul3A_209, %dma_start3A_216] : memref<320000x129xf32, #tpu.memory_space<hbm>> -> memref<128x128xf32, #tpu.memory_space<hbm>>
          %dma_start3A_218 = tpu.memref_slice %arg10[%dma_start3A_211] : memref<3x!tpu.dma_semaphore, #tpu.memory_space<semaphore_mem>> -> memref<1x!tpu.dma_semaphore, #tpu.memory_space<semaphore_mem>>
          %dma_start3A_219 = tpu.memref_squeeze %dma_start3A_218 : memref<1x!tpu.dma_semaphore, #tpu.memory_space<semaphore_mem>> -> memref<!tpu.dma_semaphore, #tpu.memory_space<semaphore_mem>>
          %dma_start3A_220 = arith.constant 0 : i32
          %dma_start3A_221 = arith.constant 0 : i32
          %dma_start3A_222 = tpu.memref_slice %arg7[%dma_start3A_210, %dma_start3A_220, %dma_start3A_221] : memref<3x128x128xf32, #tpu.memory_space<vmem>> -> memref<1x128x128xf32, #tpu.memory_space<vmem>>
          %dma_start3A_223 = tpu.memref_squeeze %dma_start3A_222 : memref<1x128x128xf32, #tpu.memory_space<vmem>> -> memref<128x128xf32, #tpu.memory_space<vmem>>
          %dma_start3A_224 = arith.constant 0 : i32
          %dma_start3A_225 = tpu.memref_slice %arg2[%mul3A_209, %dma_start3A_224] : memref<320000x129xf32, #tpu.memory_space<hbm>> -> memref<128x128xf32, #tpu.memory_space<hbm>>
          tpu.enqueue_dma source(%dma_start3A_225 : memref<128x128xf32, #tpu.memory_space<hbm>>) target(%dma_start3A_223 : memref<128x128xf32, #tpu.memory_space<vmem>>) target_semaphore(%dma_start3A_219 : memref<!tpu.dma_semaphore, #tpu.memory_space<semaphore_mem>>)
        } else {
        }
      } else {
      }
      %mul3A_154 = arith.constant 3 : i32
      %mul3A_155 = arith.muli %scan3A_109, %mul3A_154 : i32
      %add3A_156 = arith.constant 2 : i32
      %add3A_157 = arith.addi %mul3A_155, %add3A_156 : i32
      %mul3A_158 = arith.constant 32 : i32
      %mul3A_159 = arith.muli %add3A_157, %mul3A_158 : i32
      %add3A_160 = arith.addi %mul3A_159, %add3A : i32
      %lt3A_161 = arith.constant 2500 : i32
      %lt3A_162 = arith.cmpi slt, %add3A_160, %lt3A_161 : i32
      %convert_element_type3A_163 = arith.extui %lt3A_162 : i1 to i32
      %cond3A_164 = arith.constant 0 : i32
      %cond3A_165 = arith.cmpi ne, %convert_element_type3A_163, %cond3A_164 : i32
      scf.if %cond3A_165 {
        %dma_wait3A = arith.constant 0 : i32
        %dma_wait3A_176 = arith.constant 2 : i32
        %dma_wait3A_177 = arith.constant 2 : i32
        %dma_wait3A_178 = arith.constant 0 : i32
        %dma_wait3A_179 = arith.constant 0 : i32
        %dma_wait3A_180 = tpu.memref_slice %arg6[%dma_wait3A_176, %dma_wait3A_178, %dma_wait3A_179] : memref<3x2x128xi32, #tpu.memory_space<vmem>> -> memref<1x2x128xi32, #tpu.memory_space<vmem>>
        %dma_wait3A_181 = tpu.memref_squeeze %dma_wait3A_180 : memref<1x2x128xi32, #tpu.memory_space<vmem>> -> memref<2x128xi32, #tpu.memory_space<vmem>>
        %dma_wait3A_182 = arith.constant 0 : i32
        %dma_wait3A_183 = arith.constant 0 : i32
        %dma_wait3A_184 = tpu.memref_slice %arg3[%dma_wait3A, %dma_wait3A_182, %dma_wait3A_183] : memref<2500x2x128xi32, #tpu.memory_space<hbm>> -> memref<1x2x128xi32, #tpu.memory_space<hbm>>
        %dma_wait3A_185 = tpu.memref_squeeze %dma_wait3A_184 : memref<1x2x128xi32, #tpu.memory_space<hbm>> -> memref<2x128xi32, #tpu.memory_space<hbm>>
        %dma_wait3A_186 = tpu.memref_slice %arg9[%dma_wait3A_177] : memref<3x!tpu.dma_semaphore, #tpu.memory_space<semaphore_mem>> -> memref<1x!tpu.dma_semaphore, #tpu.memory_space<semaphore_mem>>
        %dma_wait3A_187 = tpu.memref_squeeze %dma_wait3A_186 : memref<1x!tpu.dma_semaphore, #tpu.memory_space<semaphore_mem>> -> memref<!tpu.dma_semaphore, #tpu.memory_space<semaphore_mem>>
        %dma_wait3A_188 = arith.constant 0 : i32
        %dma_wait3A_189 = arith.constant 0 : i32
        %dma_wait3A_190 = tpu.memref_slice %arg6[%dma_wait3A_176, %dma_wait3A_188, %dma_wait3A_189] : memref<3x2x128xi32, #tpu.memory_space<vmem>> -> memref<1x2x128xi32, #tpu.memory_space<vmem>>
        %dma_wait3A_191 = tpu.memref_squeeze %dma_wait3A_190 : memref<1x2x128xi32, #tpu.memory_space<vmem>> -> memref<2x128xi32, #tpu.memory_space<vmem>>
        %dma_wait3A_192 = arith.constant 0 : i32
        %dma_wait3A_193 = arith.constant 0 : i32
        %dma_wait3A_194 = tpu.memref_slice %arg3[%dma_wait3A, %dma_wait3A_192, %dma_wait3A_193] : memref<2500x2x128xi32, #tpu.memory_space<hbm>> -> memref<1x2x128xi32, #tpu.memory_space<hbm>>
        %dma_wait3A_195 = tpu.memref_squeeze %dma_wait3A_194 : memref<1x2x128xi32, #tpu.memory_space<hbm>> -> memref<2x128xi32, #tpu.memory_space<hbm>>
        tpu.wait_dma2 semaphore(%dma_wait3A_187 : memref<!tpu.dma_semaphore, #tpu.memory_space<semaphore_mem>>) src(%dma_wait3A_195 : memref<2x128xi32, #tpu.memory_space<hbm>>) dst(%dma_wait3A_191 : memref<2x128xi32, #tpu.memory_space<vmem>>)
        %dma_wait3A_196 = arith.constant 2 : i32
        %dma_wait3A_197 = arith.constant 2 : i32
        %dma_wait3A_198 = arith.constant 0 : i32
        %dma_wait3A_199 = arith.constant 0 : i32
        %dma_wait3A_200 = tpu.memref_slice %arg7[%dma_wait3A_196, %dma_wait3A_198, %dma_wait3A_199] : memref<3x128x128xf32, #tpu.memory_space<vmem>> -> memref<1x128x128xf32, #tpu.memory_space<vmem>>
        %dma_wait3A_201 = tpu.memref_squeeze %dma_wait3A_200 : memref<1x128x128xf32, #tpu.memory_space<vmem>> -> memref<128x128xf32, #tpu.memory_space<vmem>>
        %dma_wait3A_202 = arith.constant 0 : i32
        %dma_wait3A_203 = arith.constant 0 : i32
        %dma_wait3A_204 = tpu.memref_slice %arg2[%dma_wait3A_202, %dma_wait3A_203] : memref<320000x129xf32, #tpu.memory_space<hbm>> -> memref<128x128xf32, #tpu.memory_space<hbm>>
        %dma_wait3A_205 = tpu.memref_slice %arg10[%dma_wait3A_197] : memref<3x!tpu.dma_semaphore, #tpu.memory_space<semaphore_mem>> -> memref<1x!tpu.dma_semaphore, #tpu.memory_space<semaphore_mem>>
        %dma_wait3A_206 = tpu.memref_squeeze %dma_wait3A_205 : memref<1x!tpu.dma_semaphore, #tpu.memory_space<semaphore_mem>> -> memref<!tpu.dma_semaphore, #tpu.memory_space<semaphore_mem>>
        %dma_wait3A_207 = arith.constant 0 : i32
        %dma_wait3A_208 = arith.constant 0 : i32
        %dma_wait3A_209 = tpu.memref_slice %arg7[%dma_wait3A_196, %dma_wait3A_207, %dma_wait3A_208] : memref<3x128x128xf32, #tpu.memory_space<vmem>> -> memref<1x128x128xf32, #tpu.memory_space<vmem>>
        %dma_wait3A_210 = tpu.memref_squeeze %dma_wait3A_209 : memref<1x128x128xf32, #tpu.memory_space<vmem>> -> memref<128x128xf32, #tpu.memory_space<vmem>>
        %dma_wait3A_211 = arith.constant 0 : i32
        %dma_wait3A_212 = arith.constant 0 : i32
        %dma_wait3A_213 = tpu.memref_slice %arg2[%dma_wait3A_211, %dma_wait3A_212] : memref<320000x129xf32, #tpu.memory_space<hbm>> -> memref<128x128xf32, #tpu.memory_space<hbm>>
        tpu.wait_dma2 semaphore(%dma_wait3A_206 : memref<!tpu.dma_semaphore, #tpu.memory_space<semaphore_mem>>) src(%dma_wait3A_213 : memref<128x128xf32, #tpu.memory_space<hbm>>) dst(%dma_wait3A_210 : memref<128x128xf32, #tpu.memory_space<vmem>>)
        %get3A = arith.constant 2 : i32
        %get3A_214 = arith.constant 1 : i32
        %get3A_215 = arith.index_cast %get3A : i32 to index
        %get3A_216 = arith.index_cast %get3A_214 : i32 to index
        %get3A_217 = arith.constant 0 : index
        %get3A_218 = tpu.vector_load %arg6[%get3A_215, %get3A_216, %get3A_217] {strides = array<i32>} : memref<3x2x128xi32, #tpu.memory_space<vmem>>, vector<16xi32>,
        %bitcast3A = vector.bitcast %get3A_218 : vector<16xi32> to vector<16xf32>
        %add3A_219 = arith.constant 0 : i32
        %add3A_220 = vector.broadcast %add3A_219 : i32 to vector<16xi32>
        %add3A_221 = arith.addi %iota3A, %add3A_220 : vector<16xi32>
        %scatter3A = arith.constant 2 : i32
        %scatter3A_222 = arith.constant 0 : i32
        %scatter3A_223 = arith.constant 0 : i32
        %scatter3A_224 = tpu.memref_slice %arg7[%scatter3A, %scatter3A_222, %scatter3A_223] : memref<3x128x128xf32, #tpu.memory_space<vmem>> -> memref<1x128x128xf32, #tpu.memory_space<vmem>>
        %scatter3A_225 = tpu.memref_squeeze %scatter3A_224 : memref<1x128x128xf32, #tpu.memory_space<vmem>> -> memref<128x128xf32, #tpu.memory_space<vmem>>
        tpu.vector_store_idx %scatter3A_225[%add3A_221, %broadcast_in_dim3A_1], %bitcast3A : memref<128x128xf32, #tpu.memory_space<vmem>>[vector<16xi32>, vector<16xi32>], vector<16xf32>,
        %get3A_226 = arith.constant 2 : i32
        %get3A_227 = arith.constant 1 : i32
        %get3A_228 = arith.index_cast %get3A_226 : i32 to index
        %get3A_229 = arith.index_cast %get3A_227 : i32 to index
        %get3A_230 = arith.constant 16 : index
        %get3A_231 = tpu.vector_load %arg6[%get3A_228, %get3A_229, %get3A_230] {strides = array<i32>} : memref<3x2x128xi32, #tpu.memory_space<vmem>>, vector<16xi32>,
        %bitcast3A_232 = vector.bitcast %get3A_231 : vector<16xi32> to vector<16xf32>
        %add3A_233 = arith.constant 16 : i32
        %add3A_234 = vector.broadcast %add3A_233 : i32 to vector<16xi32>
        %add3A_235 = arith.addi %iota3A, %add3A_234 : vector<16xi32>
        %scatter3A_236 = arith.constant 2 : i32
        %scatter3A_237 = arith.constant 0 : i32
        %scatter3A_238 = arith.constant 0 : i32
        %scatter3A_239 = tpu.memref_slice %arg7[%scatter3A_236, %scatter3A_237, %scatter3A_238] : memref<3x128x128xf32, #tpu.memory_space<vmem>> -> memref<1x128x128xf32, #tpu.memory_space<vmem>>
        %scatter3A_240 = tpu.memref_squeeze %scatter3A_239 : memref<1x128x128xf32, #tpu.memory_space<vmem>> -> memref<128x128xf32, #tpu.memory_space<vmem>>
        tpu.vector_store_idx %scatter3A_240[%add3A_235, %broadcast_in_dim3A_1], %bitcast3A_232 : memref<128x128xf32, #tpu.memory_space<vmem>>[vector<16xi32>, vector<16xi32>], vector<16xf32>,
        %get3A_241 = arith.constant 2 : i32
        %get3A_242 = arith.constant 1 : i32
        %get3A_243 = arith.index_cast %get3A_241 : i32 to index
        %get3A_244 = arith.index_cast %get3A_242 : i32 to index
        %get3A_245 = arith.constant 32 : index
        %get3A_246 = tpu.vector_load %arg6[%get3A_243, %get3A_244, %get3A_245] {strides = array<i32>} : memref<3x2x128xi32, #tpu.memory_space<vmem>>, vector<16xi32>,
        %bitcast3A_247 = vector.bitcast %get3A_246 : vector<16xi32> to vector<16xf32>
        %add3A_248 = arith.constant 32 : i32
        %add3A_249 = vector.broadcast %add3A_248 : i32 to vector<16xi32>
        %add3A_250 = arith.addi %iota3A, %add3A_249 : vector<16xi32>
        %scatter3A_251 = arith.constant 2 : i32
        %scatter3A_252 = arith.constant 0 : i32
        %scatter3A_253 = arith.constant 0 : i32
        %scatter3A_254 = tpu.memref_slice %arg7[%scatter3A_251, %scatter3A_252, %scatter3A_253] : memref<3x128x128xf32, #tpu.memory_space<vmem>> -> memref<1x128x128xf32, #tpu.memory_space<vmem>>
        %scatter3A_255 = tpu.memref_squeeze %scatter3A_254 : memref<1x128x128xf32, #tpu.memory_space<vmem>> -> memref<128x128xf32, #tpu.memory_space<vmem>>
        tpu.vector_store_idx %scatter3A_255[%add3A_250, %broadcast_in_dim3A_1], %bitcast3A_247 : memref<128x128xf32, #tpu.memory_space<vmem>>[vector<16xi32>, vector<16xi32>], vector<16xf32>,
        %get3A_256 = arith.constant 2 : i32
        %get3A_257 = arith.constant 1 : i32
        %get3A_258 = arith.index_cast %get3A_256 : i32 to index
        %get3A_259 = arith.index_cast %get3A_257 : i32 to index
        %get3A_260 = arith.constant 48 : index
        %get3A_261 = tpu.vector_load %arg6[%get3A_258, %get3A_259, %get3A_260] {strides = array<i32>} : memref<3x2x128xi32, #tpu.memory_space<vmem>>, vector<16xi32>,
        %bitcast3A_262 = vector.bitcast %get3A_261 : vector<16xi32> to vector<16xf32>
        %add3A_263 = arith.constant 48 : i32
        %add3A_264 = vector.broadcast %add3A_263 : i32 to vector<16xi32>
        %add3A_265 = arith.addi %iota3A, %add3A_264 : vector<16xi32>
        %scatter3A_266 = arith.constant 2 : i32
        %scatter3A_267 = arith.constant 0 : i32
        %scatter3A_268 = arith.constant 0 : i32
        %scatter3A_269 = tpu.memref_slice %arg7[%scatter3A_266, %scatter3A_267, %scatter3A_268] : memref<3x128x128xf32, #tpu.memory_space<vmem>> -> memref<1x128x128xf32, #tpu.memory_space<vmem>>
        %scatter3A_270 = tpu.memref_squeeze %scatter3A_269 : memref<1x128x128xf32, #tpu.memory_space<vmem>> -> memref<128x128xf32, #tpu.memory_space<vmem>>
        tpu.vector_store_idx %scatter3A_270[%add3A_265, %broadcast_in_dim3A_1], %bitcast3A_262 : memref<128x128xf32, #tpu.memory_space<vmem>>[vector<16xi32>, vector<16xi32>], vector<16xf32>,
        %get3A_271 = arith.constant 2 : i32
        %get3A_272 = arith.constant 1 : i32
        %get3A_273 = arith.index_cast %get3A_271 : i32 to index
        %get3A_274 = arith.index_cast %get3A_272 : i32 to index
        %get3A_275 = arith.constant 64 : index
        %get3A_276 = tpu.vector_load %arg6[%get3A_273, %get3A_274, %get3A_275] {strides = array<i32>} : memref<3x2x128xi32, #tpu.memory_space<vmem>>, vector<16xi32>,
        %bitcast3A_277 = vector.bitcast %get3A_276 : vector<16xi32> to vector<16xf32>
        %add3A_278 = arith.constant 64 : i32
        %add3A_279 = vector.broadcast %add3A_278 : i32 to vector<16xi32>
        %add3A_280 = arith.addi %iota3A, %add3A_279 : vector<16xi32>
        %scatter3A_281 = arith.constant 2 : i32
        %scatter3A_282 = arith.constant 0 : i32
        %scatter3A_283 = arith.constant 0 : i32
        %scatter3A_284 = tpu.memref_slice %arg7[%scatter3A_281, %scatter3A_282, %scatter3A_283] : memref<3x128x128xf32, #tpu.memory_space<vmem>> -> memref<1x128x128xf32, #tpu.memory_space<vmem>>
        %scatter3A_285 = tpu.memref_squeeze %scatter3A_284 : memref<1x128x128xf32, #tpu.memory_space<vmem>> -> memref<128x128xf32, #tpu.memory_space<vmem>>
        tpu.vector_store_idx %scatter3A_285[%add3A_280, %broadcast_in_dim3A_1], %bitcast3A_277 : memref<128x128xf32, #tpu.memory_space<vmem>>[vector<16xi32>, vector<16xi32>], vector<16xf32>,
        %get3A_286 = arith.constant 2 : i32
        %get3A_287 = arith.constant 1 : i32
        %get3A_288 = arith.index_cast %get3A_286 : i32 to index
        %get3A_289 = arith.index_cast %get3A_287 : i32 to index
        %get3A_290 = arith.constant 80 : index
        %get3A_291 = tpu.vector_load %arg6[%get3A_288, %get3A_289, %get3A_290] {strides = array<i32>} : memref<3x2x128xi32, #tpu.memory_space<vmem>>, vector<16xi32>,
        %bitcast3A_292 = vector.bitcast %get3A_291 : vector<16xi32> to vector<16xf32>
        %add3A_293 = arith.constant 80 : i32
        %add3A_294 = vector.broadcast %add3A_293 : i32 to vector<16xi32>
        %add3A_295 = arith.addi %iota3A, %add3A_294 : vector<16xi32>
        %scatter3A_296 = arith.constant 2 : i32
        %scatter3A_297 = arith.constant 0 : i32
        %scatter3A_298 = arith.constant 0 : i32
        %scatter3A_299 = tpu.memref_slice %arg7[%scatter3A_296, %scatter3A_297, %scatter3A_298] : memref<3x128x128xf32, #tpu.memory_space<vmem>> -> memref<1x128x128xf32, #tpu.memory_space<vmem>>
        %scatter3A_300 = tpu.memref_squeeze %scatter3A_299 : memref<1x128x128xf32, #tpu.memory_space<vmem>> -> memref<128x128xf32, #tpu.memory_space<vmem>>
        tpu.vector_store_idx %scatter3A_300[%add3A_295, %broadcast_in_dim3A_1], %bitcast3A_292 : memref<128x128xf32, #tpu.memory_space<vmem>>[vector<16xi32>, vector<16xi32>], vector<16xf32>,
        %get3A_301 = arith.constant 2 : i32
        %get3A_302 = arith.constant 1 : i32
        %get3A_303 = arith.index_cast %get3A_301 : i32 to index
        %get3A_304 = arith.index_cast %get3A_302 : i32 to index
        %get3A_305 = arith.constant 96 : index
        %get3A_306 = tpu.vector_load %arg6[%get3A_303, %get3A_304, %get3A_305] {strides = array<i32>} : memref<3x2x128xi32, #tpu.memory_space<vmem>>, vector<16xi32>,
        %bitcast3A_307 = vector.bitcast %get3A_306 : vector<16xi32> to vector<16xf32>
        %add3A_308 = arith.constant 96 : i32
        %add3A_309 = vector.broadcast %add3A_308 : i32 to vector<16xi32>
        %add3A_310 = arith.addi %iota3A, %add3A_309 : vector<16xi32>
        %scatter3A_311 = arith.constant 2 : i32
        %scatter3A_312 = arith.constant 0 : i32
        %scatter3A_313 = arith.constant 0 : i32
        %scatter3A_314 = tpu.memref_slice %arg7[%scatter3A_311, %scatter3A_312, %scatter3A_313] : memref<3x128x128xf32, #tpu.memory_space<vmem>> -> memref<1x128x128xf32, #tpu.memory_space<vmem>>
        %scatter3A_315 = tpu.memref_squeeze %scatter3A_314 : memref<1x128x128xf32, #tpu.memory_space<vmem>> -> memref<128x128xf32, #tpu.memory_space<vmem>>
        tpu.vector_store_idx %scatter3A_315[%add3A_310, %broadcast_in_dim3A_1], %bitcast3A_307 : memref<128x128xf32, #tpu.memory_space<vmem>>[vector<16xi32>, vector<16xi32>], vector<16xf32>,
        %get3A_316 = arith.constant 2 : i32
        %get3A_317 = arith.constant 1 : i32
        %get3A_318 = arith.index_cast %get3A_316 : i32 to index
        %get3A_319 = arith.index_cast %get3A_317 : i32 to index
        %get3A_320 = arith.constant 112 : index
        %get3A_321 = tpu.vector_load %arg6[%get3A_318, %get3A_319, %get3A_320] {strides = array<i32>} : memref<3x2x128xi32, #tpu.memory_space<vmem>>, vector<16xi32>,
        %bitcast3A_322 = vector.bitcast %get3A_321 : vector<16xi32> to vector<16xf32>
        %add3A_323 = arith.constant 112 : i32
        %add3A_324 = vector.broadcast %add3A_323 : i32 to vector<16xi32>
        %add3A_325 = arith.addi %iota3A, %add3A_324 : vector<16xi32>
        %scatter3A_326 = arith.constant 2 : i32
        %scatter3A_327 = arith.constant 0 : i32
        %scatter3A_328 = arith.constant 0 : i32
        %scatter3A_329 = tpu.memref_slice %arg7[%scatter3A_326, %scatter3A_327, %scatter3A_328] : memref<3x128x128xf32, #tpu.memory_space<vmem>> -> memref<1x128x128xf32, #tpu.memory_space<vmem>>
        %scatter3A_330 = tpu.memref_squeeze %scatter3A_329 : memref<1x128x128xf32, #tpu.memory_space<vmem>> -> memref<128x128xf32, #tpu.memory_space<vmem>>
        tpu.vector_store_idx %scatter3A_330[%add3A_325, %broadcast_in_dim3A_1], %bitcast3A_322 : memref<128x128xf32, #tpu.memory_space<vmem>>[vector<16xi32>, vector<16xi32>], vector<16xf32>,
        %dma_start3A = arith.constant 2 : i32
        %dma_start3A_331 = arith.constant 2 : i32
        %dma_start3A_332 = arith.constant 0 : i32
        %dma_start3A_333 = arith.constant 2 : i32
        %dma_start3A_334 = arith.constant 0 : i32
        %dma_start3A_335 = arith.constant 0 : i32
        %dma_start3A_336 = tpu.memref_slice %arg7[%dma_start3A, %dma_start3A_334, %dma_start3A_335] : memref<3x128x128xf32, #tpu.memory_space<vmem>> -> memref<1x128x128xf32, #tpu.memory_space<vmem>>
        %dma_start3A_337 = tpu.memref_squeeze %dma_start3A_336 : memref<1x128x128xf32, #tpu.memory_space<vmem>> -> memref<128x128xf32, #tpu.memory_space<vmem>>
        %dma_start3A_338 = arith.constant 0 : i32
        %dma_start3A_339 = tpu.memref_slice %arg6[%dma_start3A_331, %dma_start3A_332, %dma_start3A_338] : memref<3x2x128xi32, #tpu.memory_space<vmem>> -> memref<1x1x128xi32, #tpu.memory_space<vmem>>
        %dma_start3A_340 = tpu.memref_squeeze %dma_start3A_339 : memref<1x1x128xi32, #tpu.memory_space<vmem>> -> memref<128xi32, #tpu.memory_space<vmem>>
        %dma_start3A_341 = arith.constant 0 : i32
        %dma_start3A_342 = arith.constant 0 : i32
        %dma_start3A_343 = tpu.memref_slice %arg8[%dma_start3A_341, %dma_start3A_342] : memref<10112x128xf32, #tpu.memory_space<vmem_shared>> -> memref<10112x128xf32, #tpu.memory_space<vmem_shared>>
        %dma_start3A_344 = tpu.memref_slice %arg11[%dma_start3A_333] : memref<3x!tpu.dma_semaphore, #tpu.memory_space<semaphore_mem>> -> memref<1x!tpu.dma_semaphore, #tpu.memory_space<semaphore_mem>>
        %dma_start3A_345 = tpu.memref_squeeze %dma_start3A_344 : memref<1x!tpu.dma_semaphore, #tpu.memory_space<semaphore_mem>> -> memref<!tpu.dma_semaphore, #tpu.memory_space<semaphore_mem>>
        tpu.enqueue_indirect_dma source(%dma_start3A_337 : memref<128x128xf32, #tpu.memory_space<vmem>>) target(%dma_start3A_343 : memref<10112x128xf32, #tpu.memory_space<vmem_shared>>) offsets(%dma_start3A_340 : memref<128xi32, #tpu.memory_space<vmem>>) semaphore(%dma_start3A_345 : memref<!tpu.dma_semaphore, #tpu.memory_space<semaphore_mem>>) {add = true}
      } else {
      }
      %add3A_166 = arith.constant 2 : i32
      %add3A_167 = arith.addi %add3A_157, %add3A_166 : i32
      %mul3A_168 = arith.constant 32 : i32
      %mul3A_169 = arith.muli %add3A_167, %mul3A_168 : i32
      %add3A_170 = arith.addi %mul3A_169, %add3A : i32
      %lt3A_171 = arith.constant 2500 : i32
      %lt3A_172 = arith.cmpi slt, %add3A_170, %lt3A_171 : i32
      %convert_element_type3A_173 = arith.extui %lt3A_172 : i1 to i32
      %cond3A_174 = arith.constant 0 : i32
      %cond3A_175 = arith.cmpi ne, %convert_element_type3A_173, %cond3A_174 : i32
      scf.if %cond3A_175 {
        %ge3A_176 = arith.constant 3 : i32
        %ge3A_177 = arith.cmpi sge, %add3A_167, %ge3A_176 : i32
        %convert_element_type3A_178 = arith.extui %ge3A_177 : i1 to i32
        %cond3A_179 = arith.constant 0 : i32
        %cond3A_180 = arith.cmpi ne, %convert_element_type3A_178, %cond3A_179 : i32
        scf.if %cond3A_180 {
          %dma_wait3A = arith.constant 1 : i32
          %dma_wait3A_189 = arith.constant 1 : i32
          %dma_wait3A_190 = arith.constant 0 : i32
          %dma_wait3A_191 = arith.constant 1 : i32
          %dma_wait3A_192 = arith.constant 0 : i32
          %dma_wait3A_193 = arith.constant 0 : i32
          %dma_wait3A_194 = tpu.memref_slice %arg7[%dma_wait3A, %dma_wait3A_192, %dma_wait3A_193] : memref<3x128x128xf32, #tpu.memory_space<vmem>> -> memref<1x128x128xf32, #tpu.memory_space<vmem>>
          %dma_wait3A_195 = tpu.memref_squeeze %dma_wait3A_194 : memref<1x128x128xf32, #tpu.memory_space<vmem>> -> memref<128x128xf32, #tpu.memory_space<vmem>>
          %dma_wait3A_196 = arith.constant 0 : i32
          %dma_wait3A_197 = tpu.memref_slice %arg6[%dma_wait3A_189, %dma_wait3A_190, %dma_wait3A_196] : memref<3x2x128xi32, #tpu.memory_space<vmem>> -> memref<1x1x128xi32, #tpu.memory_space<vmem>>
          %dma_wait3A_198 = tpu.memref_squeeze %dma_wait3A_197 : memref<1x1x128xi32, #tpu.memory_space<vmem>> -> memref<128xi32, #tpu.memory_space<vmem>>
          %dma_wait3A_199 = arith.constant 0 : i32
          %dma_wait3A_200 = arith.constant 0 : i32
          %dma_wait3A_201 = tpu.memref_slice %arg8[%dma_wait3A_199, %dma_wait3A_200] : memref<10112x128xf32, #tpu.memory_space<vmem_shared>> -> memref<10112x128xf32, #tpu.memory_space<vmem_shared>>
          %dma_wait3A_202 = tpu.memref_slice %arg11[%dma_wait3A_191] : memref<3x!tpu.dma_semaphore, #tpu.memory_space<semaphore_mem>> -> memref<1x!tpu.dma_semaphore, #tpu.memory_space<semaphore_mem>>
          %dma_wait3A_203 = tpu.memref_squeeze %dma_wait3A_202 : memref<1x!tpu.dma_semaphore, #tpu.memory_space<semaphore_mem>> -> memref<!tpu.dma_semaphore, #tpu.memory_space<semaphore_mem>>
          tpu.wait_indirect_dma semaphore(%dma_wait3A_203 : memref<!tpu.dma_semaphore, #tpu.memory_space<semaphore_mem>>) src(%dma_wait3A_195 : memref<128x128xf32, #tpu.memory_space<vmem>>) dst(%dma_wait3A_201 : memref<10112x128xf32, #tpu.memory_space<vmem_shared>>)
        } else {
        }
        %mul3A_181 = arith.constant 32 : i32
        %mul3A_182 = arith.muli %add3A_167, %mul3A_181 : i32
        %add3A_183 = arith.addi %mul3A_182, %add3A : i32
        %lt3A_184 = arith.constant 2500 : i32
        %lt3A_185 = arith.cmpi slt, %add3A_183, %lt3A_184 : i32
        %convert_element_type3A_186 = arith.extui %lt3A_185 : i1 to i32
        %cond3A_187 = arith.constant 0 : i32
        %cond3A_188 = arith.cmpi ne, %convert_element_type3A_186, %cond3A_187 : i32
        scf.if %cond3A_188 {
          %dma_start3A = arith.constant 1 : i32
          %dma_start3A_189 = arith.constant 1 : i32
          %dma_start3A_190 = arith.constant 0 : i32
          %dma_start3A_191 = arith.constant 0 : i32
          %dma_start3A_192 = tpu.memref_slice %arg6[%dma_start3A, %dma_start3A_190, %dma_start3A_191] : memref<3x2x128xi32, #tpu.memory_space<vmem>> -> memref<1x2x128xi32, #tpu.memory_space<vmem>>
          %dma_start3A_193 = tpu.memref_squeeze %dma_start3A_192 : memref<1x2x128xi32, #tpu.memory_space<vmem>> -> memref<2x128xi32, #tpu.memory_space<vmem>>
          %dma_start3A_194 = arith.constant 0 : i32
          %dma_start3A_195 = arith.constant 0 : i32
          %dma_start3A_196 = tpu.memref_slice %arg3[%add3A_183, %dma_start3A_194, %dma_start3A_195] : memref<2500x2x128xi32, #tpu.memory_space<hbm>> -> memref<1x2x128xi32, #tpu.memory_space<hbm>>
          %dma_start3A_197 = tpu.memref_squeeze %dma_start3A_196 : memref<1x2x128xi32, #tpu.memory_space<hbm>> -> memref<2x128xi32, #tpu.memory_space<hbm>>
          %dma_start3A_198 = tpu.memref_slice %arg9[%dma_start3A_189] : memref<3x!tpu.dma_semaphore, #tpu.memory_space<semaphore_mem>> -> memref<1x!tpu.dma_semaphore, #tpu.memory_space<semaphore_mem>>
          %dma_start3A_199 = tpu.memref_squeeze %dma_start3A_198 : memref<1x!tpu.dma_semaphore, #tpu.memory_space<semaphore_mem>> -> memref<!tpu.dma_semaphore, #tpu.memory_space<semaphore_mem>>
          %dma_start3A_200 = arith.constant 0 : i32
          %dma_start3A_201 = arith.constant 0 : i32
          %dma_start3A_202 = tpu.memref_slice %arg6[%dma_start3A, %dma_start3A_200, %dma_start3A_201] : memref<3x2x128xi32, #tpu.memory_space<vmem>> -> memref<1x2x128xi32, #tpu.memory_space<vmem>>
          %dma_start3A_203 = tpu.memref_squeeze %dma_start3A_202 : memref<1x2x128xi32, #tpu.memory_space<vmem>> -> memref<2x128xi32, #tpu.memory_space<vmem>>
          %dma_start3A_204 = arith.constant 0 : i32
          %dma_start3A_205 = arith.constant 0 : i32
          %dma_start3A_206 = tpu.memref_slice %arg3[%add3A_183, %dma_start3A_204, %dma_start3A_205] : memref<2500x2x128xi32, #tpu.memory_space<hbm>> -> memref<1x2x128xi32, #tpu.memory_space<hbm>>
          %dma_start3A_207 = tpu.memref_squeeze %dma_start3A_206 : memref<1x2x128xi32, #tpu.memory_space<hbm>> -> memref<2x128xi32, #tpu.memory_space<hbm>>
          tpu.enqueue_dma source(%dma_start3A_207 : memref<2x128xi32, #tpu.memory_space<hbm>>) target(%dma_start3A_203 : memref<2x128xi32, #tpu.memory_space<vmem>>) target_semaphore(%dma_start3A_199 : memref<!tpu.dma_semaphore, #tpu.memory_space<semaphore_mem>>)
          %mul3A_208 = arith.constant 128 : i32
          %mul3A_209 = arith.muli %add3A_183, %mul3A_208 : i32
          %dma_start3A_210 = arith.constant 1 : i32
          %dma_start3A_211 = arith.constant 1 : i32
          %dma_start3A_212 = arith.constant 0 : i32
          %dma_start3A_213 = arith.constant 0 : i32
          %dma_start3A_214 = tpu.memref_slice %arg7[%dma_start3A_210, %dma_start3A_212, %dma_start3A_213] : memref<3x128x128xf32, #tpu.memory_space<vmem>> -> memref<1x128x128xf32, #tpu.memory_space<vmem>>
          %dma_start3A_215 = tpu.memref_squeeze %dma_start3A_214 : memref<1x128x128xf32, #tpu.memory_space<vmem>> -> memref<128x128xf32, #tpu.memory_space<vmem>>
          %dma_start3A_216 = arith.constant 0 : i32
          %dma_start3A_217 = tpu.memref_slice %arg2[%mul3A_209, %dma_start3A_216] : memref<320000x129xf32, #tpu.memory_space<hbm>> -> memref<128x128xf32, #tpu.memory_space<hbm>>
          %dma_start3A_218 = tpu.memref_slice %arg10[%dma_start3A_211] : memref<3x!tpu.dma_semaphore, #tpu.memory_space<semaphore_mem>> -> memref<1x!tpu.dma_semaphore, #tpu.memory_space<semaphore_mem>>
          %dma_start3A_219 = tpu.memref_squeeze %dma_start3A_218 : memref<1x!tpu.dma_semaphore, #tpu.memory_space<semaphore_mem>> -> memref<!tpu.dma_semaphore, #tpu.memory_space<semaphore_mem>>
          %dma_start3A_220 = arith.constant 0 : i32
          %dma_start3A_221 = arith.constant 0 : i32
          %dma_start3A_222 = tpu.memref_slice %arg7[%dma_start3A_210, %dma_start3A_220, %dma_start3A_221] : memref<3x128x128xf32, #tpu.memory_space<vmem>> -> memref<1x128x128xf32, #tpu.memory_space<vmem>>
          %dma_start3A_223 = tpu.memref_squeeze %dma_start3A_222 : memref<1x128x128xf32, #tpu.memory_space<vmem>> -> memref<128x128xf32, #tpu.memory_space<vmem>>
          %dma_start3A_224 = arith.constant 0 : i32
          %dma_start3A_225 = tpu.memref_slice %arg2[%mul3A_209, %dma_start3A_224] : memref<320000x129xf32, #tpu.memory_space<hbm>> -> memref<128x128xf32, #tpu.memory_space<hbm>>
          tpu.enqueue_dma source(%dma_start3A_225 : memref<128x128xf32, #tpu.memory_space<hbm>>) target(%dma_start3A_223 : memref<128x128xf32, #tpu.memory_space<vmem>>) target_semaphore(%dma_start3A_219 : memref<!tpu.dma_semaphore, #tpu.memory_space<semaphore_mem>>)
        } else {
        }
      } else {
      }
    }
    %scan3A_21 = arith.constant 27 : i32
    %add3A_22 = arith.constant 2368 : i32
    %add3A_23 = arith.addi %add3A_22, %add3A : i32
    %add3A_24 = arith.constant 2464 : i32
    %add3A_25 = arith.addi %add3A_24, %add3A : i32
    %lt3A_26 = arith.constant 2500 : i32
    %lt3A_27 = arith.cmpi slt, %add3A_23, %lt3A_26 : i32
    %ge3A = arith.constant 2500 : i32
    %ge3A_28 = arith.cmpi sge, %add3A_25, %ge3A : i32
    %and3A = arith.andi %lt3A_27, %ge3A_28 : i1
    %convert_element_type3A_29 = arith.extui %and3A : i1 to i32
    %cond3A_30 = arith.constant 0 : i32
    %cond3A_31 = arith.cmpi ne, %convert_element_type3A_29, %cond3A_30 : i32
    scf.if %cond3A_31 {
      %dma_wait3A = arith.constant 2 : i32
      %dma_wait3A_109 = arith.constant 2 : i32
      %dma_wait3A_110 = arith.constant 0 : i32
      %dma_wait3A_111 = arith.constant 2 : i32
      %dma_wait3A_112 = arith.constant 0 : i32
      %dma_wait3A_113 = arith.constant 0 : i32
      %dma_wait3A_114 = tpu.memref_slice %arg7[%dma_wait3A, %dma_wait3A_112, %dma_wait3A_113] : memref<3x128x128xf32, #tpu.memory_space<vmem>> -> memref<1x128x128xf32, #tpu.memory_space<vmem>>
      %dma_wait3A_115 = tpu.memref_squeeze %dma_wait3A_114 : memref<1x128x128xf32, #tpu.memory_space<vmem>> -> memref<128x128xf32, #tpu.memory_space<vmem>>
      %dma_wait3A_116 = arith.constant 0 : i32
      %dma_wait3A_117 = tpu.memref_slice %arg6[%dma_wait3A_109, %dma_wait3A_110, %dma_wait3A_116] : memref<3x2x128xi32, #tpu.memory_space<vmem>> -> memref<1x1x128xi32, #tpu.memory_space<vmem>>
      %dma_wait3A_118 = tpu.memref_squeeze %dma_wait3A_117 : memref<1x1x128xi32, #tpu.memory_space<vmem>> -> memref<128xi32, #tpu.memory_space<vmem>>
      %dma_wait3A_119 = arith.constant 0 : i32
      %dma_wait3A_120 = arith.constant 0 : i32
      %dma_wait3A_121 = tpu.memref_slice %arg8[%dma_wait3A_119, %dma_wait3A_120] : memref<10112x128xf32, #tpu.memory_space<vmem_shared>> -> memref<10112x128xf32, #tpu.memory_space<vmem_shared>>
      %dma_wait3A_122 = tpu.memref_slice %arg11[%dma_wait3A_111] : memref<3x!tpu.dma_semaphore, #tpu.memory_space<semaphore_mem>> -> memref<1x!tpu.dma_semaphore, #tpu.memory_space<semaphore_mem>>
      %dma_wait3A_123 = tpu.memref_squeeze %dma_wait3A_122 : memref<1x!tpu.dma_semaphore, #tpu.memory_space<semaphore_mem>> -> memref<!tpu.dma_semaphore, #tpu.memory_space<semaphore_mem>>
      tpu.wait_indirect_dma semaphore(%dma_wait3A_123 : memref<!tpu.dma_semaphore, #tpu.memory_space<semaphore_mem>>) src(%dma_wait3A_115 : memref<128x128xf32, #tpu.memory_space<vmem>>) dst(%dma_wait3A_121 : memref<10112x128xf32, #tpu.memory_space<vmem_shared>>)
    } else {
    }
    %add3A_32 = arith.constant 2400 : i32
    %add3A_33 = arith.addi %add3A_32, %add3A : i32
    %add3A_34 = arith.constant 2496 : i32
    %add3A_35 = arith.addi %add3A_34, %add3A : i32
    %lt3A_36 = arith.constant 2500 : i32
    %lt3A_37 = arith.cmpi slt, %add3A_33, %lt3A_36 : i32
    %ge3A_38 = arith.constant 2500 : i32
    %ge3A_39 = arith.cmpi sge, %add3A_35, %ge3A_38 : i32
    %and3A_40 = arith.andi %lt3A_37, %ge3A_39 : i1
    %convert_element_type3A_41 = arith.extui %and3A_40 : i1 to i32
    %cond3A_42 = arith.constant 0 : i32
    %cond3A_43 = arith.cmpi ne, %convert_element_type3A_41, %cond3A_42 : i32
    scf.if %cond3A_43 {
      %dma_wait3A = arith.constant 0 : i32
      %dma_wait3A_109 = arith.constant 0 : i32
      %dma_wait3A_110 = arith.constant 0 : i32
      %dma_wait3A_111 = arith.constant 0 : i32
      %dma_wait3A_112 = arith.constant 0 : i32
      %dma_wait3A_113 = arith.constant 0 : i32
      %dma_wait3A_114 = tpu.memref_slice %arg7[%dma_wait3A, %dma_wait3A_112, %dma_wait3A_113] : memref<3x128x128xf32, #tpu.memory_space<vmem>> -> memref<1x128x128xf32, #tpu.memory_space<vmem>>
      %dma_wait3A_115 = tpu.memref_squeeze %dma_wait3A_114 : memref<1x128x128xf32, #tpu.memory_space<vmem>> -> memref<128x128xf32, #tpu.memory_space<vmem>>
      %dma_wait3A_116 = arith.constant 0 : i32
      %dma_wait3A_117 = tpu.memref_slice %arg6[%dma_wait3A_109, %dma_wait3A_110, %dma_wait3A_116] : memref<3x2x128xi32, #tpu.memory_space<vmem>> -> memref<1x1x128xi32, #tpu.memory_space<vmem>>
      %dma_wait3A_118 = tpu.memref_squeeze %dma_wait3A_117 : memref<1x1x128xi32, #tpu.memory_space<vmem>> -> memref<128xi32, #tpu.memory_space<vmem>>
      %dma_wait3A_119 = arith.constant 0 : i32
      %dma_wait3A_120 = arith.constant 0 : i32
      %dma_wait3A_121 = tpu.memref_slice %arg8[%dma_wait3A_119, %dma_wait3A_120] : memref<10112x128xf32, #tpu.memory_space<vmem_shared>> -> memref<10112x128xf32, #tpu.memory_space<vmem_shared>>
      %dma_wait3A_122 = tpu.memref_slice %arg11[%dma_wait3A_111] : memref<3x!tpu.dma_semaphore, #tpu.memory_space<semaphore_mem>> -> memref<1x!tpu.dma_semaphore, #tpu.memory_space<semaphore_mem>>
      %dma_wait3A_123 = tpu.memref_squeeze %dma_wait3A_122 : memref<1x!tpu.dma_semaphore, #tpu.memory_space<semaphore_mem>> -> memref<!tpu.dma_semaphore, #tpu.memory_space<semaphore_mem>>
      tpu.wait_indirect_dma semaphore(%dma_wait3A_123 : memref<!tpu.dma_semaphore, #tpu.memory_space<semaphore_mem>>) src(%dma_wait3A_115 : memref<128x128xf32, #tpu.memory_space<vmem>>) dst(%dma_wait3A_121 : memref<10112x128xf32, #tpu.memory_space<vmem_shared>>)
    } else {
    }
    %add3A_44 = arith.constant 2432 : i32
    %add3A_45 = arith.addi %add3A_44, %add3A : i32
    %add3A_46 = arith.constant 2528 : i32
    %add3A_47 = arith.addi %add3A_46, %add3A : i32
    %lt3A_48 = arith.constant 2500 : i32
    %lt3A_49 = arith.cmpi slt, %add3A_45, %lt3A_48 : i32
    %ge3A_50 = arith.constant 2500 : i32
    %ge3A_51 = arith.cmpi sge, %add3A_47, %ge3A_50 : i32
    %and3A_52 = arith.andi %lt3A_49, %ge3A_51 : i1
    %convert_element_type3A_53 = arith.extui %and3A_52 : i1 to i32
    %cond3A_54 = arith.constant 0 : i32
    %cond3A_55 = arith.cmpi ne, %convert_element_type3A_53, %cond3A_54 : i32
    scf.if %cond3A_55 {
      %dma_wait3A = arith.constant 1 : i32
      %dma_wait3A_109 = arith.constant 1 : i32
      %dma_wait3A_110 = arith.constant 0 : i32
      %dma_wait3A_111 = arith.constant 1 : i32
      %dma_wait3A_112 = arith.constant 0 : i32
      %dma_wait3A_113 = arith.constant 0 : i32
      %dma_wait3A_114 = tpu.memref_slice %arg7[%dma_wait3A, %dma_wait3A_112, %dma_wait3A_113] : memref<3x128x128xf32, #tpu.memory_space<vmem>> -> memref<1x128x128xf32, #tpu.memory_space<vmem>>
      %dma_wait3A_115 = tpu.memref_squeeze %dma_wait3A_114 : memref<1x128x128xf32, #tpu.memory_space<vmem>> -> memref<128x128xf32, #tpu.memory_space<vmem>>
      %dma_wait3A_116 = arith.constant 0 : i32
      %dma_wait3A_117 = tpu.memref_slice %arg6[%dma_wait3A_109, %dma_wait3A_110, %dma_wait3A_116] : memref<3x2x128xi32, #tpu.memory_space<vmem>> -> memref<1x1x128xi32, #tpu.memory_space<vmem>>
      %dma_wait3A_118 = tpu.memref_squeeze %dma_wait3A_117 : memref<1x1x128xi32, #tpu.memory_space<vmem>> -> memref<128xi32, #tpu.memory_space<vmem>>
      %dma_wait3A_119 = arith.constant 0 : i32
      %dma_wait3A_120 = arith.constant 0 : i32
      %dma_wait3A_121 = tpu.memref_slice %arg8[%dma_wait3A_119, %dma_wait3A_120] : memref<10112x128xf32, #tpu.memory_space<vmem_shared>> -> memref<10112x128xf32, #tpu.memory_space<vmem_shared>>
      %dma_wait3A_122 = tpu.memref_slice %arg11[%dma_wait3A_111] : memref<3x!tpu.dma_semaphore, #tpu.memory_space<semaphore_mem>> -> memref<1x!tpu.dma_semaphore, #tpu.memory_space<semaphore_mem>>
      %dma_wait3A_123 = tpu.memref_squeeze %dma_wait3A_122 : memref<1x!tpu.dma_semaphore, #tpu.memory_space<semaphore_mem>> -> memref<!tpu.dma_semaphore, #tpu.memory_space<semaphore_mem>>
      tpu.wait_indirect_dma semaphore(%dma_wait3A_123 : memref<!tpu.dma_semaphore, #tpu.memory_space<semaphore_mem>>) src(%dma_wait3A_115 : memref<128x128xf32, #tpu.memory_space<vmem>>) dst(%dma_wait3A_121 : memref<10112x128xf32, #tpu.memory_space<vmem_shared>>)
    } else {
    }
    %add3A_56 = arith.constant 2464 : i32
    %add3A_57 = arith.addi %add3A_56, %add3A : i32
    %add3A_58 = arith.constant 2560 : i32
    %add3A_59 = arith.addi %add3A_58, %add3A : i32
    %lt3A_60 = arith.constant 2500 : i32
    %lt3A_61 = arith.cmpi slt, %add3A_57, %lt3A_60 : i32
    %ge3A_62 = arith.constant 2500 : i32
    %ge3A_63 = arith.cmpi sge, %add3A_59, %ge3A_62 : i32
    %and3A_64 = arith.andi %lt3A_61, %ge3A_63 : i1
    %convert_element_type3A_65 = arith.extui %and3A_64 : i1 to i32
    %cond3A_66 = arith.constant 0 : i32
    %cond3A_67 = arith.cmpi ne, %convert_element_type3A_65, %cond3A_66 : i32
    scf.if %cond3A_67 {
      %dma_wait3A = arith.constant 2 : i32
      %dma_wait3A_109 = arith.constant 2 : i32
      %dma_wait3A_110 = arith.constant 0 : i32
      %dma_wait3A_111 = arith.constant 2 : i32
      %dma_wait3A_112 = arith.constant 0 : i32
      %dma_wait3A_113 = arith.constant 0 : i32
      %dma_wait3A_114 = tpu.memref_slice %arg7[%dma_wait3A, %dma_wait3A_112, %dma_wait3A_113] : memref<3x128x128xf32, #tpu.memory_space<vmem>> -> memref<1x128x128xf32, #tpu.memory_space<vmem>>
      %dma_wait3A_115 = tpu.memref_squeeze %dma_wait3A_114 : memref<1x128x128xf32, #tpu.memory_space<vmem>> -> memref<128x128xf32, #tpu.memory_space<vmem>>
      %dma_wait3A_116 = arith.constant 0 : i32
      %dma_wait3A_117 = tpu.memref_slice %arg6[%dma_wait3A_109, %dma_wait3A_110, %dma_wait3A_116] : memref<3x2x128xi32, #tpu.memory_space<vmem>> -> memref<1x1x128xi32, #tpu.memory_space<vmem>>
      %dma_wait3A_118 = tpu.memref_squeeze %dma_wait3A_117 : memref<1x1x128xi32, #tpu.memory_space<vmem>> -> memref<128xi32, #tpu.memory_space<vmem>>
      %dma_wait3A_119 = arith.constant 0 : i32
      %dma_wait3A_120 = arith.constant 0 : i32
      %dma_wait3A_121 = tpu.memref_slice %arg8[%dma_wait3A_119, %dma_wait3A_120] : memref<10112x128xf32, #tpu.memory_space<vmem_shared>> -> memref<10112x128xf32, #tpu.memory_space<vmem_shared>>
      %dma_wait3A_122 = tpu.memref_slice %arg11[%dma_wait3A_111] : memref<3x!tpu.dma_semaphore, #tpu.memory_space<semaphore_mem>> -> memref<1x!tpu.dma_semaphore, #tpu.memory_space<semaphore_mem>>
      %dma_wait3A_123 = tpu.memref_squeeze %dma_wait3A_122 : memref<1x!tpu.dma_semaphore, #tpu.memory_space<semaphore_mem>> -> memref<!tpu.dma_semaphore, #tpu.memory_space<semaphore_mem>>
      tpu.wait_indirect_dma semaphore(%dma_wait3A_123 : memref<!tpu.dma_semaphore, #tpu.memory_space<semaphore_mem>>) src(%dma_wait3A_115 : memref<128x128xf32, #tpu.memory_space<vmem>>) dst(%dma_wait3A_121 : memref<10112x128xf32, #tpu.memory_space<vmem_shared>>)
    } else {
    }
    %add3A_68 = arith.constant 2496 : i32
    %add3A_69 = arith.addi %add3A_68, %add3A : i32
    %add3A_70 = arith.constant 2592 : i32
    %add3A_71 = arith.addi %add3A_70, %add3A : i32
    %lt3A_72 = arith.constant 2500 : i32
    %lt3A_73 = arith.cmpi slt, %add3A_69, %lt3A_72 : i32
    %ge3A_74 = arith.constant 2500 : i32
    %ge3A_75 = arith.cmpi sge, %add3A_71, %ge3A_74 : i32
    %and3A_76 = arith.andi %lt3A_73, %ge3A_75 : i1
    %convert_element_type3A_77 = arith.extui %and3A_76 : i1 to i32
    %cond3A_78 = arith.constant 0 : i32
    %cond3A_79 = arith.cmpi ne, %convert_element_type3A_77, %cond3A_78 : i32
    scf.if %cond3A_79 {
      %dma_wait3A = arith.constant 0 : i32
      %dma_wait3A_109 = arith.constant 0 : i32
      %dma_wait3A_110 = arith.constant 0 : i32
      %dma_wait3A_111 = arith.constant 0 : i32
      %dma_wait3A_112 = arith.constant 0 : i32
      %dma_wait3A_113 = arith.constant 0 : i32
      %dma_wait3A_114 = tpu.memref_slice %arg7[%dma_wait3A, %dma_wait3A_112, %dma_wait3A_113] : memref<3x128x128xf32, #tpu.memory_space<vmem>> -> memref<1x128x128xf32, #tpu.memory_space<vmem>>
      %dma_wait3A_115 = tpu.memref_squeeze %dma_wait3A_114 : memref<1x128x128xf32, #tpu.memory_space<vmem>> -> memref<128x128xf32, #tpu.memory_space<vmem>>
      %dma_wait3A_116 = arith.constant 0 : i32
      %dma_wait3A_117 = tpu.memref_slice %arg6[%dma_wait3A_109, %dma_wait3A_110, %dma_wait3A_116] : memref<3x2x128xi32, #tpu.memory_space<vmem>> -> memref<1x1x128xi32, #tpu.memory_space<vmem>>
      %dma_wait3A_118 = tpu.memref_squeeze %dma_wait3A_117 : memref<1x1x128xi32, #tpu.memory_space<vmem>> -> memref<128xi32, #tpu.memory_space<vmem>>
      %dma_wait3A_119 = arith.constant 0 : i32
      %dma_wait3A_120 = arith.constant 0 : i32
      %dma_wait3A_121 = tpu.memref_slice %arg8[%dma_wait3A_119, %dma_wait3A_120] : memref<10112x128xf32, #tpu.memory_space<vmem_shared>> -> memref<10112x128xf32, #tpu.memory_space<vmem_shared>>
      %dma_wait3A_122 = tpu.memref_slice %arg11[%dma_wait3A_111] : memref<3x!tpu.dma_semaphore, #tpu.memory_space<semaphore_mem>> -> memref<1x!tpu.dma_semaphore, #tpu.memory_space<semaphore_mem>>
      %dma_wait3A_123 = tpu.memref_squeeze %dma_wait3A_122 : memref<1x!tpu.dma_semaphore, #tpu.memory_space<semaphore_mem>> -> memref<!tpu.dma_semaphore, #tpu.memory_space<semaphore_mem>>
      tpu.wait_indirect_dma semaphore(%dma_wait3A_123 : memref<!tpu.dma_semaphore, #tpu.memory_space<semaphore_mem>>) src(%dma_wait3A_115 : memref<128x128xf32, #tpu.memory_space<vmem>>) dst(%dma_wait3A_121 : memref<10112x128xf32, #tpu.memory_space<vmem_shared>>)
    } else {
    }
    %add3A_80 = arith.constant 2528 : i32
    %add3A_81 = arith.addi %add3A_80, %add3A : i32
    %add3A_82 = arith.constant 2624 : i32
    %add3A_83 = arith.addi %add3A_82, %add3A : i32
    %lt3A_84 = arith.constant 2500 : i32
    %lt3A_85 = arith.cmpi slt, %add3A_81, %lt3A_84 : i32
    %ge3A_86 = arith.constant 2500 : i32
    %ge3A_87 = arith.cmpi sge, %add3A_83, %ge3A_86 : i32
    %and3A_88 = arith.andi %lt3A_85, %ge3A_87 : i1
    %convert_element_type3A_89 = arith.extui %and3A_88 : i1 to i32
    %cond3A_90 = arith.constant 0 : i32
    %cond3A_91 = arith.cmpi ne, %convert_element_type3A_89, %cond3A_90 : i32
    scf.if %cond3A_91 {
      %dma_wait3A = arith.constant 1 : i32
      %dma_wait3A_109 = arith.constant 1 : i32
      %dma_wait3A_110 = arith.constant 0 : i32
      %dma_wait3A_111 = arith.constant 1 : i32
      %dma_wait3A_112 = arith.constant 0 : i32
      %dma_wait3A_113 = arith.constant 0 : i32
      %dma_wait3A_114 = tpu.memref_slice %arg7[%dma_wait3A, %dma_wait3A_112, %dma_wait3A_113] : memref<3x128x128xf32, #tpu.memory_space<vmem>> -> memref<1x128x128xf32, #tpu.memory_space<vmem>>
      %dma_wait3A_115 = tpu.memref_squeeze %dma_wait3A_114 : memref<1x128x128xf32, #tpu.memory_space<vmem>> -> memref<128x128xf32, #tpu.memory_space<vmem>>
      %dma_wait3A_116 = arith.constant 0 : i32
      %dma_wait3A_117 = tpu.memref_slice %arg6[%dma_wait3A_109, %dma_wait3A_110, %dma_wait3A_116] : memref<3x2x128xi32, #tpu.memory_space<vmem>> -> memref<1x1x128xi32, #tpu.memory_space<vmem>>
      %dma_wait3A_118 = tpu.memref_squeeze %dma_wait3A_117 : memref<1x1x128xi32, #tpu.memory_space<vmem>> -> memref<128xi32, #tpu.memory_space<vmem>>
      %dma_wait3A_119 = arith.constant 0 : i32
      %dma_wait3A_120 = arith.constant 0 : i32
      %dma_wait3A_121 = tpu.memref_slice %arg8[%dma_wait3A_119, %dma_wait3A_120] : memref<10112x128xf32, #tpu.memory_space<vmem_shared>> -> memref<10112x128xf32, #tpu.memory_space<vmem_shared>>
      %dma_wait3A_122 = tpu.memref_slice %arg11[%dma_wait3A_111] : memref<3x!tpu.dma_semaphore, #tpu.memory_space<semaphore_mem>> -> memref<1x!tpu.dma_semaphore, #tpu.memory_space<semaphore_mem>>
      %dma_wait3A_123 = tpu.memref_squeeze %dma_wait3A_122 : memref<1x!tpu.dma_semaphore, #tpu.memory_space<semaphore_mem>> -> memref<!tpu.dma_semaphore, #tpu.memory_space<semaphore_mem>>
      tpu.wait_indirect_dma semaphore(%dma_wait3A_123 : memref<!tpu.dma_semaphore, #tpu.memory_space<semaphore_mem>>) src(%dma_wait3A_115 : memref<128x128xf32, #tpu.memory_space<vmem>>) dst(%dma_wait3A_121 : memref<10112x128xf32, #tpu.memory_space<vmem_shared>>)
    } else {
    }
    %add3A_92 = arith.constant 2560 : i32
    %add3A_93 = arith.addi %add3A_92, %add3A : i32
    %add3A_94 = arith.constant 2656 : i32
    %add3A_95 = arith.addi %add3A_94, %add3A : i32
    %lt3A_96 = arith.constant 2500 : i32
    %lt3A_97 = arith.cmpi slt, %add3A_93, %lt3A_96 : i32
    %ge3A_98 = arith.constant 2500 : i32
    %ge3A_99 = arith.cmpi sge, %add3A_95, %ge3A_98 : i32
    %and3A_100 = arith.andi %lt3A_97, %ge3A_99 : i1
    %convert_element_type3A_101 = arith.extui %and3A_100 : i1 to i32
    %cond3A_102 = arith.constant 0 : i32
    %cond3A_103 = arith.cmpi ne, %convert_element_type3A_101, %cond3A_102 : i32
    scf.if %cond3A_103 {
      %dma_wait3A = arith.constant 2 : i32
      %dma_wait3A_109 = arith.constant 2 : i32
      %dma_wait3A_110 = arith.constant 0 : i32
      %dma_wait3A_111 = arith.constant 2 : i32
      %dma_wait3A_112 = arith.constant 0 : i32
      %dma_wait3A_113 = arith.constant 0 : i32
      %dma_wait3A_114 = tpu.memref_slice %arg7[%dma_wait3A, %dma_wait3A_112, %dma_wait3A_113] : memref<3x128x128xf32, #tpu.memory_space<vmem>> -> memref<1x128x128xf32, #tpu.memory_space<vmem>>
      %dma_wait3A_115 = tpu.memref_squeeze %dma_wait3A_114 : memref<1x128x128xf32, #tpu.memory_space<vmem>> -> memref<128x128xf32, #tpu.memory_space<vmem>>
      %dma_wait3A_116 = arith.constant 0 : i32
      %dma_wait3A_117 = tpu.memref_slice %arg6[%dma_wait3A_109, %dma_wait3A_110, %dma_wait3A_116] : memref<3x2x128xi32, #tpu.memory_space<vmem>> -> memref<1x1x128xi32, #tpu.memory_space<vmem>>
      %dma_wait3A_118 = tpu.memref_squeeze %dma_wait3A_117 : memref<1x1x128xi32, #tpu.memory_space<vmem>> -> memref<128xi32, #tpu.memory_space<vmem>>
      %dma_wait3A_119 = arith.constant 0 : i32
      %dma_wait3A_120 = arith.constant 0 : i32
      %dma_wait3A_121 = tpu.memref_slice %arg8[%dma_wait3A_119, %dma_wait3A_120] : memref<10112x128xf32, #tpu.memory_space<vmem_shared>> -> memref<10112x128xf32, #tpu.memory_space<vmem_shared>>
      %dma_wait3A_122 = tpu.memref_slice %arg11[%dma_wait3A_111] : memref<3x!tpu.dma_semaphore, #tpu.memory_space<semaphore_mem>> -> memref<1x!tpu.dma_semaphore, #tpu.memory_space<semaphore_mem>>
      %dma_wait3A_123 = tpu.memref_squeeze %dma_wait3A_122 : memref<1x!tpu.dma_semaphore, #tpu.memory_space<semaphore_mem>> -> memref<!tpu.dma_semaphore, #tpu.memory_space<semaphore_mem>>
      tpu.wait_indirect_dma semaphore(%dma_wait3A_123 : memref<!tpu.dma_semaphore, #tpu.memory_space<semaphore_mem>>) src(%dma_wait3A_115 : memref<128x128xf32, #tpu.memory_space<vmem>>) dst(%dma_wait3A_121 : memref<10112x128xf32, #tpu.memory_space<vmem_shared>>)
    } else {
    }
    %barrier3A_104 = arith.constant 0 : index
    tpu.barrier barrier_id(%barrier3A_104)
    %mul3A_105 = arith.constant 632 : i32
    %mul3A_106 = arith.muli %arg1, %mul3A_105 : i32
    %mul3A_107 = arith.constant 632 : i32
    %mul3A_108 = arith.muli %arg1, %mul3A_107 : i32
    "tpu.region"() ({
      %run_scoped3A = tpu.sem_alloc : memref<!tpu.dma_semaphore, #tpu.memory_space<semaphore_mem>>
      %dma_start3A = arith.constant 0 : i32
      %dma_start3A_109 = tpu.memref_slice %arg5[%arg0, %mul3A_108, %dma_start3A] : memref<2x10112x128xf32, #tpu.memory_space<hbm>> -> memref<1x632x128xf32, #tpu.memory_space<hbm>>
      %dma_start3A_110 = tpu.memref_squeeze %dma_start3A_109 : memref<1x632x128xf32, #tpu.memory_space<hbm>> -> memref<632x128xf32, #tpu.memory_space<hbm>>
      %dma_start3A_111 = arith.constant 0 : i32
      %dma_start3A_112 = tpu.memref_slice %arg8[%mul3A_106, %dma_start3A_111] : memref<10112x128xf32, #tpu.memory_space<vmem_shared>> -> memref<632x128xf32, #tpu.memory_space<vmem_shared>>
      tpu.enqueue_dma source(%dma_start3A_112 : memref<632x128xf32, #tpu.memory_space<vmem_shared>>) target(%dma_start3A_110 : memref<632x128xf32, #tpu.memory_space<hbm>>) target_semaphore(%run_scoped3A : memref<!tpu.dma_semaphore, #tpu.memory_space<semaphore_mem>>)
      %dma_wait3A = arith.constant 0 : i32
      %dma_wait3A_113 = tpu.memref_slice %arg5[%arg0, %mul3A_108, %dma_wait3A] : memref<2x10112x128xf32, #tpu.memory_space<hbm>> -> memref<1x632x128xf32, #tpu.memory_space<hbm>>
      %dma_wait3A_114 = tpu.memref_squeeze %dma_wait3A_113 : memref<1x632x128xf32, #tpu.memory_space<hbm>> -> memref<632x128xf32, #tpu.memory_space<hbm>>
      %dma_wait3A_115 = arith.constant 0 : i32
      %dma_wait3A_116 = tpu.memref_slice %arg8[%mul3A_106, %dma_wait3A_115] : memref<10112x128xf32, #tpu.memory_space<vmem_shared>> -> memref<632x128xf32, #tpu.memory_space<vmem_shared>>
      tpu.wait_dma2 semaphore(%run_scoped3A : memref<!tpu.dma_semaphore, #tpu.memory_space<semaphore_mem>>) src(%dma_wait3A_116 : memref<632x128xf32, #tpu.memory_space<vmem_shared>>) dst(%dma_wait3A_114 : memref<632x128xf32, #tpu.memory_space<hbm>>)
      tpu.yield
    }) : () -> ()
    return
  }
}

module attributes {stable_mosaic.version = 14 : i64} {
  func.func @body(%arg0: i32, %arg1: memref<1000x128xf32, #tpu.memory_space<vmem>>, %arg2: memref<2x1000x128xf32, #tpu.memory_space<vmem>>, %arg3: memref<1000x256xf32, #tpu.memory_space<vmem>>) attributes {dimension_semantics = [#tpu.dimension_semantics<arbitrary>], iteration_bounds = array<i64: 10>, scalar_prefetch = 0 : i64, scratch_operands = 0 : i64, tpu.core_type = #tpu.core_type<tc>, window_params = [{transform_indices = @transform_0, window_bounds = array<i64: 1000, 128>}, {transform_indices = @transform_1, window_bounds = array<i64: 2, 1000, 128>}, {transform_indices = @transform_2, window_bounds = array<i64: 1000, 256>}]} {
    %get3A = arith.constant 0 : index
    %get3A_0 = arith.constant 0 : index
    %get3A_1 = arith.constant 0 : index
    %get3A_2 = vector.load %arg2[%get3A, %get3A_0, %get3A_1] : memref<2x1000x128xf32, #tpu.memory_space<vmem>>, vector<1x1000x128xf32>
    %get3A_3 = vector.shape_cast %get3A_2 : vector<1x1000x128xf32> to vector<1000x128xf32>
    %get3A_4 = arith.constant 1 : index
    %get3A_5 = arith.constant 0 : index
    %get3A_6 = arith.constant 0 : index
    %get3A_7 = vector.load %arg2[%get3A_4, %get3A_5, %get3A_6] : memref<2x1000x128xf32, #tpu.memory_space<vmem>>, vector<1x1000x128xf32>
    %get3A_8 = vector.shape_cast %get3A_7 : vector<1x1000x128xf32> to vector<1000x128xf32>
    %add3A = arith.addf %get3A_3, %get3A_8 : vector<1000x128xf32>
    %get3A_9 = arith.constant 0 : index
    %get3A_10 = arith.constant 0 : index
    %get3A_11 = vector.load %arg1[%get3A_9, %get3A_10] : memref<1000x128xf32, #tpu.memory_space<vmem>>, vector<1000x128xf32>
    %swap3A = arith.constant 0 : index
    %swap3A_12 = arith.constant 0 : index
    %swap3A_13 = vector.load %arg3[%swap3A, %swap3A_12] : memref<1000x256xf32, #tpu.memory_space<vmem>>, vector<1000x128xf32>
    tpu.vector_store %arg3[%swap3A, %swap3A_12], %get3A_11 {strides = array<i32>} : memref<1000x256xf32, #tpu.memory_space<vmem>>, vector<1000x128xf32>,
    %slice3A = vector.extract_strided_slice %add3A {offsets = [0, 1], sizes = [1000, 127], strides = [1, 1]} : vector<1000x128xf32> to vector<1000x127xf32>
    %slice3A_14 = vector.extract_strided_slice %add3A {offsets = [0, 0], sizes = [1000, 1], strides = [1, 1]} : vector<1000x128xf32> to vector<1000x1xf32>
    %concatenate3A = tpu.concatenate %slice3A, %slice3A_14 in 1 : vector<1000x127xf32>, vector<1000x1xf32> -> vector<1000x128xf32>
    %swap3A_15 = arith.constant 0 : index
    %swap3A_16 = arith.constant 128 : index
    %swap3A_17 = vector.load %arg3[%swap3A_15, %swap3A_16] : memref<1000x256xf32, #tpu.memory_space<vmem>>, vector<1000x128xf32>
    tpu.vector_store %arg3[%swap3A_15, %swap3A_16], %concatenate3A {strides = array<i32>} : memref<1000x256xf32, #tpu.memory_space<vmem>>, vector<1000x128xf32>,
    return
  }
  func.func @transform_0(%arg0: i32) -> (i32, i32) {
    %c0_i32 = arith.constant 0 : i32
    %c0_i32_0 = arith.constant 0 : i32
    return %arg0, %c0_i32 : i32, i32
  }
  func.func @transform_1(%arg0: i32) -> (i32, i32, i32) {
    %c0_i32 = arith.constant 0 : i32
    %c0_i32_0 = arith.constant 0 : i32
    %c0_i32_1 = arith.constant 0 : i32
    return %c0_i32, %arg0, %c0_i32_0 : i32, i32, i32
  }
  func.func @transform_2(%arg0: i32) -> (i32, i32) {
    %c0_i32 = arith.constant 0 : i32
    %c0_i32_0 = arith.constant 0 : i32
    return %arg0, %c0_i32 : i32, i32
  }
}

</mosaic_0001>

<sc_bundles>
// kernel: kernel.4.cloned.1.call-start
scs
__scs_entry_jumppad:
0x0: {  	(pc) =	sbr.rel $0x88, $3  }
0x1: {  	(tag) =	ssettag $0x0;
	lr =	simm.s32 $0x1  }
0x2: {  	[smem:$0x3F9E] =	sst lr;
	_ =	strace $0xD0000000  }
0x3: {  	_ = 	snop  }
0x4: {  	_ = 	snop  }
0x5: {  	_ = 	snop  }
0x6: {  	_ = 	snop  }
0x7: {  	_ = 	snop  }
__scs_overlays_trampoline_lowered:
0x8: {  	[smem:$0x3FAD] =	sst s0  }
0x9: {  	[smem:$0x3FAE] =	sst s1  }
0xa: {  	[smem:$0x3FAF] =	sst s2  }
0xb: {  	[smem:$0x3FB0] =	sst s3  }
0xc: {  	[smem:$0x3FB1] =	sst s4  }
0xd: {  	[smem:$0x3FB2] =	sst s5  }
0xe: {  	[smem:$0x3FB3] =	sst s6  }
0xf: {  	[smem:$0x3FB4] =	sst s7  }
0x10: {  	[smem:$0x3FB5] =	sst s8  }
0x11: {  	[smem:$0x3FB6] =	sst s9;
	s0 =	simm.s32 @!p0 $0x0  }
0x12: {  	s1 =	sld [smem:$0x3F9C];
	s0 =	simm.s32 @p0 $0x1  }
0x13: {  	[smem:$0x3FB7] =	sst s0;
	s0 =	simm.s32 @!p1 $0x0  }
0x14: {  	s2 =	sld [smem:$0x3F9B];
	s0 =	simm.s32 @p1 $0x1  }
0x15: {  	[smem:$0x3FB8] =	sst s0;
	s0 =	simm.s32 @!p2 $0x0  }
0x16: {  	s3 =	sld [smem:$0x3FDB];
	s0 =	simm.s32 @p2 $0x1  }
0x17: {  	s4 =	simm.s32 $0x1BF5;
	[smem:$0x3FBA] =	sst s0  }
0x18: {  	s0 =	sld [smem:$0x3F9D];
	_ =	swait.ge [sflag:s4], $0x0  }
0x19: {  	s7 =	sld [smem:$0x3F9E]  }
0x1a: {  	s8 =	sadd.s32 $0xFFFFE003, lr  }
0x1b: {  	s9 =	sadd.s32 $0xFFFFFEF7, lr;
	s5 =	simm.s32 $0xFFFFFFFF;
	p2 =	slt.u32 s8, $0xFFFFF086  }
0x1c: {  	p1 =	slt.u32 s9, $0xF7A;
	s5 =	simm.s32 @!p2 $0x0  }
0x1d: {  	s5 =	simm.s32 @p1 $0x1;
	p0 =	seq.s32 s7, s2  }
0x1e: {  	s7 =	smul.u32 @!p0 $0xF7A, s2;
	p2 =	seq.s32 @!p0 s5, $0x0  }
0x1f: {  	s9 =	smul.u32 $0xF7A, s1;
	s8 =	simm.s32 @!p0 $0x1BF5;
	p2 =	por !p2, p0  }
0x20: {  	[sflag:s8] =	ssyncset.s32 @!p0 $0xFFFFF086;
	s6 =	sadd.s32 @!p0 s3, s7;
	s7 =	simm.s32 @!p0 $0x108  }
0x21: {  	s3 =	sadd.s32 s3, s9;
	s6 =	sadd.s32 @!p0 $0x88, s6;
	s7 =	simm.s32 @p2 $0x1082  }
0x22: {  	[simem:s7], [sflag:s8] =	dma.local @!p0 [hbm:s6], $0xF7A  }
0x23: {  	s9 =	sor.u32 $0xD0000000, s2;
	s6 =	simm.s32 $0x108;
	_ =	swait.ge @!p0 [sflag:s8], $0x0  }
0x24: {  	s3 =	sadd.s32 $0x88, s3;
	s6 =	simm.s32 @!p1 $0x1082;
	[sflag:s4] =	ssyncset.s32 $0xFFFFF086  }
0x25: {  	[simem:s6], [sflag:s4] =	dma.local [hbm:s3], $0xF7A  }
0x26: {  	[smem:$0x3F9E] =	sst s1;
	(tag) =	ssettag s2;
	_ =	strace s9  }
0x27: {  	s1 =	sld [smem:$0x3FAE]  }
0x28: {  	s2 =	sld [smem:$0x3FAF]  }
0x29: {  	s4 =	sld [smem:$0x3FB1]  }
0x2a: {  	p0 =	seq.s32 s5, $0x0;
	s5 =	sld [smem:$0x3FB2]  }
0x2b: {  	s6 =	sld [smem:$0x3FB3]  }
0x2c: {  	s7 =	sld [smem:$0x3FB4]  }
0x2d: {  	s3 =	simm.s32 $0x108;
	s8 =	sld [smem:$0x3FB5]  }
0x2e: {  	s3 =	simm.s32 @!p0 $0x1082;
	s9 =	sld [smem:$0x3FB6]  }
0x2f: {  	lr =	sadd.s32 s0, s3;
	s0 =	sld [smem:$0x3FAD]  }
0x30: {  	s3 =	sld [smem:$0x3FB0]  }
0x31: {  	[smem:$0x3FB9] =	sst s10  }
0x32: {  	s10 =	sld [smem:$0x3FB7];
	_ =	sdelay $0x3  }
0x33: {  	p0 =	seq.s32 s10, $0x1;
	s10 =	sld [smem:$0x3FB9];
	_ =	sdelay $0x3  }
0x34: {  	[smem:$0x3FB9] =	sst s10  }
0x35: {  	s10 =	sld [smem:$0x3FB8];
	_ =	sdelay $0x3  }
0x36: {  	p1 =	seq.s32 s10, $0x1;
	s10 =	sld [smem:$0x3FB9];
	_ =	sdelay $0x3  }
0x37: {  	[smem:$0x3FB9] =	sst s10  }
0x38: {  	s10 =	sld [smem:$0x3FBA]  }
0x39: {  	_ = 	snop;
	(pc) =	sbr.ind lr, $3  }
0x3a: {  	_ = 	snop  }
0x3b: {  	_ = 	snop  }
0x3c: {  	p2 =	seq.s32 s10, $0x1;
	s10 =	sld [smem:$0x3FB9]  }
0x3d: {  	_ =	shalt  }
0x3e: {  	_ =	shalt  }
0x3f: {  	_ =	shalt  }
0x40: {  	_ =	shalt  }
0x41: {  	_ =	shalt  }
0x42: {  	_ =	shalt  }
0x43: {  	_ =	shalt  }
0x44: {  	_ =	shalt  }
0x45: {  	_ =	shalt  }
0x46: {  	_ =	shalt  }
0x47: {  	_ =	shalt  }
0x48: {  	_ =	shalt  }
0x49: {  	_ =	shalt  }
0x4a: {  	_ =	shalt  }
0x4b: {  	_ =	shalt  }
0x4c: {  	_ =	shalt  }
0x4d: {  	_ =	shalt  }
0x4e: {  	_ =	shalt  }
0x4f: {  	_ =	shalt  }
0x50: {  	_ =	shalt  }
0x51: {  	_ =	shalt  }
0x52: {  	_ =	shalt  }
0x53: {  	_ =	shalt  }
0x54: {  	_ =	shalt  }
0x55: {  	_ =	shalt  }
0x56: {  	_ =	shalt  }
0x57: {  	_ =	shalt  }
0x58: {  	_ =	shalt  }
0x59: {  	_ =	shalt  }
0x5a: {  	_ =	shalt  }
0x5b: {  	_ =	shalt  }
0x5c: {  	_ =	shalt  }
0x5d: {  	_ =	shalt  }
0x5e: {  	_ =	shalt  }
0x5f: {  	_ =	shalt  }
0x60: {  	_ =	shalt  }
0x61: {  	_ =	shalt  }
0x62: {  	_ =	shalt  }
0x63: {  	_ =	shalt  }
0x64: {  	_ =	shalt  }
0x65: {  	_ =	shalt  }
0x66: {  	_ =	shalt  }
0x67: {  	_ =	shalt  }
0x68: {  	_ =	shalt  }
0x69: {  	_ =	shalt  }
0x6a: {  	_ =	shalt  }
0x6b: {  	_ =	shalt  }
0x6c: {  	_ =	shalt  }
0x6d: {  	_ =	shalt  }
0x6e: {  	_ =	shalt  }
0x6f: {  	_ =	shalt  }
0x70: {  	_ =	shalt  }
0x71: {  	_ =	shalt  }
0x72: {  	_ =	shalt  }
0x73: {  	_ =	shalt  }
0x74: {  	_ =	shalt  }
0x75: {  	_ =	shalt  }
0x76: {  	_ =	shalt  }
0x77: {  	_ =	shalt  }
0x78: {  	_ =	shalt  }
0x79: {  	_ =	shalt  }
0x7a: {  	_ =	shalt  }
0x7b: {  	_ =	shalt  }
0x7c: {  	_ =	shalt  }
0x7d: {  	_ =	shalt  }
0x7e: {  	_ =	shalt  }
0x7f: {  	_ =	shalt  }
0x80: {  	_ =	shalt  }
0x81: {  	_ =	shalt  }
0x82: {  	_ =	shalt  }
0x83: {  	_ =	shalt  }
0x84: {  	_ =	shalt  }
0x85: {  	_ =	shalt  }
0x86: {  	_ =	shalt  }
0x87: {  	_ =	shalt  }
.Lfunc_end0:
.L_simem_size_0:
called_computation_lowered:
.L_overlay_start_0:
0x88: {  	s2 =	sld [smem:$0x3FD9]  }
0x89: {  	s3 =	sld [smem:$0x3FFE];
	_ =	sdelay $0x1  }
0x8a: {  	s1 =	srdreg.scid  }
0x8b: {  	s0 =	sand.u32 $0x1, s1  }
0x8c: {  	s17 =	sshll.u32 s0, $0xA;
	s2 =	sadd.s32 s3, s2  }
0x8d: {  	s2 =	sadd.s32 s2, s17  }
0x8e: {  	[smem:$0x3FC5] =	sst s2  }
0x8f: {  	_ = 	snop  }
0x90: {  	s2 =	sld [smem:$0x3FD0];
	(tm) =	ssettm $0x1  }
0x91: {  	s18 =	sld [smem:$0x3FFB];
	_ =	sdelay $0x3  }
0x92: {  	_ =	strace s18  }
0x93: {  	s3 =	sld [smem:$0x3FFC];
	_ =	sdelay $0x3  }
0x94: {  	_ =	strace s3  }
0x95: {  	s3 =	sld [smem:$0x3FFD];
	_ =	sdelay $0x3  }
0x96: {  	_ =	strace s3  }
0x97: {  	_ =	strace $0x8FFFFFFF  }
0x98: {  	s19 =	sld [smem:$0x3FDB];
	_ =	sdelay $0x1  }
0x99: {  	s4 =	simm.s32 $_scs_section_size  }
0x9a: {  	s5 =	simm.s32 $_size__tile_overlayer_lowered;
	s6 =	simm.s32 $_tile_overlayer_lowered  }
0x9b: {  	s22 =	simm.s32 $0x1BFF;
	s21 =	sshll.u32 s6, $0x1;
	s3 =	sadd.s32 s4, s19  }
0x9c: {  	s7 =	simm.s32 $0x0;
	s20 =	sshll.u32 s5, $0x1;
	s5 =	sadd.s32 s21, s3  }
0x9d: {  	[timem:s7], [sflag:s22] =	dma.local [hbm:s5], s20  }
0x9e: {  	_ =	swait.ge [sflag:s22], s20  }
0x9f: {  	s4 =	ssub.s32 $0x0, s20;
	[sflag:s22] =	ssyncset.done $0x0  }
0xa0: {  	[sflag:s22] =	ssyncadd.s32 s4;
	_ =	sdelay $0x1  }
0xa1: {  	s23 =	simm.s32 $0x1B8B  }
0xa2: {  	_ =	swait.ge [sflag:s23], $0x1  }
0xa3: {  	[sflag:s23] =	ssyncset.done $0x0  }
0xa4: {  	s25 =	simm.s32 $0x1B8E;
	s24 =	sld [smem:$0x3FFE];
	[sflag:s23] =	ssyncadd.s32 $0xFFFFFFFF  }
0xa5: {  	s26 =	simm.s32 $execute0_lowered;
	[smem:$0x3FD2] =	sst s25  }
0xa6: {  	s5 =	sshll.u32 s26, $0x1;
	_ =	strace $0x80000046;
	[dreg:$0x1] =	wrdreg $0xFFFFFFFF  }
0xa7: {  	s28 =	simm.s32 $_size_execute0_lowered;
	s3 =	sadd.s32 s3, s5;
	[dreg:$0x0] =	wrdreg $0x0  }
0xa8: {  	s5 =	sshll.u32 s28, $0x1;
	[dreg:$0x2] =	wrdreg s3  }
0xa9: {  	[dreg:$0x3] =	wrdreg s5  }
0xaa: {  	[dreg:$0x4] =	wrdreg $0xC0  }
0xab: {  	_ =	task [dreg:s7], $0x5FFFF  }
0xac: {  	[dreg:$0x1] =	wrdreg $0xFFFFFFFF  }
0xad: {  	[dreg:$0x0] =	wrdreg $0x60  }
0xae: {  	[dreg:$0x2] =	wrdreg s24  }
0xaf: {  	[dreg:$0x3] =	wrdreg s2  }
0xb0: {  	[dreg:$0x4] =	wrdreg $0xC3000  }
0xb1: {  	[dreg:$0x5] =	wrdreg $0x9  }
0xb2: {  	_ =	task.clear_ibuf [dreg:s7], $0x6FFFF;
	_ =	strace $0x90000046  }
0xb3: {  	s29 =	simm.s32 $0x9;
	_ =	strace $0x80000048  }
0xb4: {  	_ =	swait.ge [sflag:s29], $0x1  }
0xb5: {  	[sflag:s29] =	ssyncadd.s32 $0xFFFFFFFF  }
0xb6: {  	_ =	strace $0x90000048  }
0xb7: {  	_ =	sfence  }
0xb8: {  	s30 =	sld [smem:$0x0];
	_ =	sdelay $0x2  }
0xb9: {  	s31 =	sshll.u32 s1, $0xD;
	s1 =	sshrl.u32 s1, $0x2  }
0xba: {  	s3 =	sand.u32 $0x4000, s31;
	s1 =	sadd.s32 s1, s30  }
0xbb: {  	s0 =	sor.u32 s3, s0;
	s1 =	sshll.u32 s1, $0x11  }
0xbc: {  	s0 =	sor.u32 s1, s0  }
0xbd: {  	s0 =	sadd.s32 $0x8F2B, s0  }
0xbe: {  	[sflag:s0] =	ssyncadd.remote.s32 $0x1  }
0xbf: {  	_ =	sfence.sel $0xFFFF  }
0xc0: {  	[dreg:$0x0] =	wrdreg $0xFFFFFFFF;
	(pc) =	sbr.abs _section_cstart, $3  }
0xc1: {  	[dreg:$0x1] =	wrdreg $0xFFFFFFFF  }
0xc2: {  	_ =	task.clear_ibuf [dreg:s7], $0x2FFFF;
	_ =	strace $0x9FFFFFFF  }
0xc3: {  	(tm) =	ssettm $0x7FFFFFFF  }
tec
execute0_lowered:
.L_overlay_start_1:
0x0: {  	(tag) =	ssettag $0x1  }
0x1: {  	s0 =	rddreg [dreg:$0x0]  }
0x2: {  	s1 =	rddreg [dreg:$0x1]  }
0x3: {  	s3 =	srdreg.scid;
	s19 =	stileid.u32  }
0x4: {  	s2 =	rddreg [dreg:$0x2];
	s16 =	simm.s32 $0x0;
	s11 =	sand.u32 $0x1, s3  }
0x5: {  	s5 =	smul.u32 $0x13C00, s19;
	[smem:$0x7FF] =	sst s16;
	s12 =	sadd.s32 $0xA00, s0  }
0x6: {  	s13 =	sadd.s32 $0x9C4A00, s0;
	s14 =	sshll.u32 s19, $0x1;
	s8 =	smul.u32 $0x4F000, s19  }
0x7: {  	s16 =	sshll.u32 s19, $0x6;
	s26 =	sshll.u32 s19, $0xD;
	p0 =	slt.u32 s19, $0x2  }
0x8: {  	p1 =	sgt.u32 s19, $0x1;
	s4 =	smul.u32 $0x13C000, s11;
	_ =	strace $0x80000047  }
0x9: {  	s6 =	ssub.s32 $0x2, s11;
	s24 =	ssub.s32 $0x9A4, s14;
	s25 =	sadd.s32 s16, s13  }
0xa: {  	s28 =	sshll.u32 s11, $0x5;
	s29 =	sshll.u32 s11, $0xC;
	s7 =	sshrl.u32 s6, $0x1  }
0xb: {  	s17 =	sshrl.u32 s8, $0x2;
	[dreg:$0x5] =	wrdreg s24;
	s30 =	sadd.s32 s28, s25  }
0xc: {  	s24 =	simm.s32 $0x0;
	s4 =	sadd.s32 s5, s4;
	s15 =	ssub.s32 s6, s7  }
0xd: {  	s5 =	sshrl.u32 s5, $0x3;
	s17 =	sadd.s32 s17, s2;
	s6 =	sor.u32 $0x1C0A, s16  }
0xe: {  	s16 =	simm.s32 $0xA;
	s4 =	sshrl.u32 s4, $0x3;
	s1 =	sadd.s32 s1, s5  }
0xf: {  	s0 =	sadd.s32 s4, s0;
	s4 =	sor.u32 s11, s14;
	[dreg:$0x6] =	wrdreg s1  }
0x10: {  	s18 =	sshll.u32 s4, $0x5;
	s20 =	sshll.u32 s4, $0xC;
	s10 =	sor.u32 $0x20, s4  }
0x11: {  	s11 =	sadd.s32 $0x9D8400, s0;
	s1 =	sadd.s32 s13, s18;
	s21 =	sadd.s32 s12, s20  }
0x12: {  	s22 =	sshll.u32 s10, $0x5;
	s23 =	sshll.u32 s10, $0xC;
	[dreg:$0x7] =	wrdreg s1  }
0x13: {  	s18 =	ssub.s32 $0x9C4, s14;
	[dreg:$0x8] =	wrdreg s21;
	s9 =	sadd.s32 s13, s22  }
0x14: {  	s10 =	sadd.s32 s12, s23;
	[dreg:$0x4] =	wrdreg s18;
	s12 =	sadd.s32 s26, s12  }
0x15: {  	s13 =	sadd.s32 $0x1000, s30;
	s18 =	simm.s32 $0x800;
	s22 =	simm.s32 $0x8  }
0x16: {  	s23 =	simm.s32 $0x9;
	s31 =	sadd.s32 s29, s12;
	s12 =	smax.u32 s15, $0x1  }
0x17: {  	s15 =	sshrl.u32 s17, $0x3;
	s17 =	simm.s32 $0x400;
	s14 =	sadd.s32 $0x80000, s31  }
.LBB2_1:
0x18: {  	s0 =	rddreg [dreg:$0x6]  }
0x19: {  	[spmem:s15], [sflag:s6] =	dma.local [hbm:s0], $0x2780  }
0x1a: {  	_ =	swait.ge [sflag:s16], $0x2780  }
0x1b: {  	[sflag:s16] =	ssyncset.done $0x0  }
0x1c: {  	[sflag:s16] =	ssyncadd.s32 $0xFFFFD880  }
0x1d: {  	[bflag:$0x0] =	sbarrier.arrive $0xFFFF  }
0x1e: {  	s1 =	rddreg [dreg:$0x7]  }
0x1f: {  	s25 =	simm.s32 $0x0;
	s26 =	rddreg [dreg:$0x8]  }
0x20: {  	[tilespmem:s25], [sflag:$0x1] =	stream.linear.gather [hbm4b:s1+s25], $0x100, $0x38;
	[tilespmem:$0x1FF00] =	vst v63  }
0x21: {  	s3 =	simm.s32 $0x300;
	s5 =	rddreg [dreg:$0x4]  }
0x22: {  	[tilespmem:s3], [sflag:$0x4] =	stream.strided.gather [hbm4b:s26+s17], $0x4000, s18, s17, $0x38;
	[tilespmem:$0x1FF00] =	vst v63  }
0x23: {  	p3 =	sle.u32 s5, $0x0;
	s3 =	simm.s32 $0x100  }
0x24: {  	[tilespmem:s3], [sflag:$0x2] =	stream.linear.gather [hbm4b:s9+s25], $0x100, $0x38;
	[tilespmem:$0x1FF00] =	vst v63  }
0x25: {  	s7 =	simm.s32 $0x4300;
	s0 =	simm.s32 @!p3 $0x1  }
0x26: {  	[tilespmem:s7], [sflag:$0x5] =	stream.strided.gather [hbm4b:s10+s17], $0x4000, s18, s17, $0x38;
	[tilespmem:$0x1FF00] =	vst v63  }
0x27: {  	_ =	swait.ge @!p3 [sflag:s0], $0x100  }
0x28: {  	[sflag:s0] =	ssyncset.done @!p3 $0x0  }
0x29: {  	s1 =	simm.s32 @!p3 $0x4;
	[sflag:s0] =	ssyncadd.s32 @!p3 $0xFFFFFF00  }
0x2a: {  	_ =	swait.ge @!p3 [sflag:s1], $0x4000  }
0x2b: {  	v0 =	vlaneseq.u32 @!p3;
	[sflag:s1] =	ssyncset.done @!p3 $0x0  }
0x2c: {  	v0 =	vmul.u32 @!p3 $0x80, v0;
	[sflag:s1] =	ssyncadd.s32 @!p3 $0xFFFFC000  }
0x2d: {  	v1 =	vld @!p3 [tilespmem:$0x80];
	_ =	sdelay $0x3  }
0x2e: {  	s1 =	simm.s32 @!p3 $0x300  }
0x2f: {  	[tilespmem:v0+s1+$0x0] =	vst.idx.msk @!p3 $0xffff, v1  }
0x30: {  	v1 =	vor.u32 @!p3 $0x800, v0;
	v2 =	vld @!p3 [tilespmem:$0x90];
	_ =	sdelay $0x4  }
0x31: {  	[tilespmem:v1+s1+$0x0] =	vst.idx.msk @!p3 $0xffff, v2  }
0x32: {  	v1 =	vor.u32 @!p3 $0x1000, v0;
	v2 =	vld @!p3 [tilespmem:$0xA0];
	_ =	sdelay $0x4  }
0x33: {  	[tilespmem:v1+s1+$0x0] =	vst.idx.msk @!p3 $0xffff, v2  }
0x34: {  	v1 =	vor.u32 @!p3 $0x1800, v0;
	v2 =	vld @!p3 [tilespmem:$0xB0];
	_ =	sdelay $0x4  }
0x35: {  	[tilespmem:v1+s1+$0x0] =	vst.idx.msk @!p3 $0xffff, v2  }
0x36: {  	v1 =	vor.u32 @!p3 $0x2000, v0;
	v2 =	vld @!p3 [tilespmem:$0xC0];
	_ =	sdelay $0x4  }
0x37: {  	[tilespmem:v1+s1+$0x0] =	vst.idx.msk @!p3 $0xffff, v2  }
0x38: {  	v1 =	vor.u32 @!p3 $0x2800, v0;
	v2 =	vld @!p3 [tilespmem:$0xD0];
	_ =	sdelay $0x4  }
0x39: {  	[tilespmem:v1+s1+$0x0] =	vst.idx.msk @!p3 $0xffff, v2  }
0x3a: {  	v1 =	vor.u32 @!p3 $0x3000, v0;
	v2 =	vld @!p3 [tilespmem:$0xE0];
	_ =	sdelay $0x4  }
0x3b: {  	[tilespmem:v1+s1+$0x0] =	vst.idx.msk @!p3 $0xffff, v2  }
0x3c: {  	s8 =	sadd.s32 $0x0, s4;
	v0 =	vor.u32 @!p3 $0x3800, v0;
	v1 =	vld @!p3 [tilespmem:$0xF0]  }
0x3d: {  	s19 =	sadd.s32 $0x40, s8  }
0x3e: {  	p2 =	sgt.u32 s19, $0x9C3  }
0x3f: {  	p4 =	por @!p2 $0x1, $0x1  }
0x40: {  	p4 =	por p4, p2  }
0x41: {  	s21 =	simm.s32 @!p4 $0x9;
	s19 =	simm.s32 @!p3 $0x80;
	s20 =	simm.s32 @!p3 $0x0;
	[tilespmem:v0+s1+$0x0] =	vst.idx.msk @!p3 $0xffff, v1  }
0x42: {  	[spmem:s2] =	stream.indirect.scatter.add.f32 @!p3 [tilespmem:s1], [sflag:$0x7], $0x80, s20, s19, $0xb8;
	[tilespmem:$0x1FF00] =	vst v63  }
0x43: {  	s26 =	simm.s32 @!p2 $0x0;
	s20 =	simm.s32 @!p2 $0x800;
	_ =	swait.ge @!p4 [sflag:s21], $0x4000  }
0x44: {  	s1 =	simm.s32 @!p2 $0x8300;
	s19 =	simm.s32 @!p2 $0x200;
	[sflag:s21] =	ssyncset.done @!p4 $0x0  }
0x45: {  	s25 =	rddreg [dreg:$0x5];
	[sflag:s21] =	ssyncadd.s32 @!p4 $0xFFFFC000;
	s21 =	sadd.s32 @!p2 $0xFFFFF800, s13  }
0x46: {  	[tilespmem:s19], [sflag:$0x3] =	stream.linear.gather @!p2 [hbm4b:s21+s26], $0x100, $0x38;
	[tilespmem:$0x1FF00] =	vst v63  }
0x47: {  	p3 =	sle.u32 s25, $0x0;
	s21 =	sadd.s32 @!p2 $0xFFFC0000, s14;
	s26 =	simm.s32 @!p2 $0x400  }
0x48: {  	[tilespmem:s1], [sflag:$0x6] =	stream.strided.gather @!p2 [hbm4b:s21+s26], $0x4000, s20, s26, $0x38;
	[tilespmem:$0x1FF00] =	vst v63  }
0x49: {  	s20 =	simm.s32 @!p3 $0x2  }
0x4a: {  	_ =	swait.ge @!p3 [sflag:s20], $0x100  }
0x4b: {  	[sflag:s20] =	ssyncset.done @!p3 $0x0  }
0x4c: {  	s21 =	simm.s32 @!p3 $0x5;
	[sflag:s20] =	ssyncadd.s32 @!p3 $0xFFFFFF00  }
0x4d: {  	_ =	swait.ge @!p3 [sflag:s21], $0x4000  }
0x4e: {  	v0 =	vlaneseq.u32 @!p3;
	[sflag:s21] =	ssyncset.done @!p3 $0x0  }
0x4f: {  	v0 =	vmul.u32 @!p3 $0x80, v0;
	[sflag:s21] =	ssyncadd.s32 @!p3 $0xFFFFC000  }
0x50: {  	v1 =	vld @!p3 [tilespmem:$0x180];
	_ =	sdelay $0x3  }
0x51: {  	s20 =	simm.s32 @!p3 $0x4300  }
0x52: {  	[tilespmem:v0+s20+$0x0] =	vst.idx.msk @!p3 $0xffff, v1  }
0x53: {  	v1 =	vor.u32 @!p3 $0x800, v0;
	v2 =	vld @!p3 [tilespmem:$0x190];
	_ =	sdelay $0x4  }
0x54: {  	[tilespmem:v1+s20+$0x0] =	vst.idx.msk @!p3 $0xffff, v2  }
0x55: {  	v1 =	vor.u32 @!p3 $0x1000, v0;
	v2 =	vld @!p3 [tilespmem:$0x1A0];
	_ =	sdelay $0x4  }
0x56: {  	[tilespmem:v1+s20+$0x0] =	vst.idx.msk @!p3 $0xffff, v2  }
0x57: {  	v1 =	vor.u32 @!p3 $0x1800, v0;
	v2 =	vld @!p3 [tilespmem:$0x1B0];
	_ =	sdelay $0x4  }
0x58: {  	[tilespmem:v1+s20+$0x0] =	vst.idx.msk @!p3 $0xffff, v2  }
0x59: {  	v1 =	vor.u32 @!p3 $0x2000, v0;
	v2 =	vld @!p3 [tilespmem:$0x1C0];
	_ =	sdelay $0x4  }
0x5a: {  	[tilespmem:v1+s20+$0x0] =	vst.idx.msk @!p3 $0xffff, v2  }
0x5b: {  	v1 =	vor.u32 @!p3 $0x2800, v0;
	v2 =	vld @!p3 [tilespmem:$0x1D0];
	_ =	sdelay $0x4  }
0x5c: {  	[tilespmem:v1+s20+$0x0] =	vst.idx.msk @!p3 $0xffff, v2  }
0x5d: {  	v1 =	vor.u32 @!p3 $0x3000, v0;
	v2 =	vld @!p3 [tilespmem:$0x1E0];
	_ =	sdelay $0x4  }
0x5e: {  	[tilespmem:v1+s20+$0x0] =	vst.idx.msk @!p3 $0xffff, v2  }
0x5f: {  	v0 =	vor.u32 @!p3 $0x3800, v0;
	v1 =	vld @!p3 [tilespmem:$0x1F0];
	_ =	sdelay $0x2  }
0x60: {  	s26 =	sadd.s32 $0x60, s8  }
0x61: {  	p4 =	sgt.u32 s26, $0x9C3  }
0x62: {  	s25 =	simm.s32 @!p3 $0x100;
	s26 =	simm.s32 @!p4 $0x7;
	s21 =	simm.s32 @!p3 $0x80;
	[tilespmem:v0+s20+$0x0] =	vst.idx.msk @!p3 $0xffff, v1  }
0x63: {  	[spmem:s2] =	stream.indirect.scatter.add.f32 @!p3 [tilespmem:s20], [sflag:$0x8], $0x80, s25, s21, $0xb8;
	[tilespmem:$0x1FF00] =	vst v63  }
0x64: {  	_ =	swait.ge @!p4 [sflag:s26], $0x4000  }
0x65: {  	s28 =	simm.s32 @!p4 $0x0;
	s20 =	simm.s32 @!p4 $0x800;
	[sflag:s26] =	ssyncset.done @!p4 $0x0  }
0x66: {  	s21 =	simm.s32 @!p4 $0x300;
	s25 =	sadd.s32 @!p4 $0xFFFFFC00, s13;
	[sflag:s26] =	ssyncadd.s32 @!p4 $0xFFFFC000  }
0x67: {  	[tilespmem:s28], [sflag:$0x1] =	stream.linear.gather @!p4 [hbm4b:s25+s28], $0x100, $0x38;
	[tilespmem:$0x1FF00] =	vst v63  }
0x68: {  	s26 =	simm.s32 @!p4 $0x400;
	s25 =	sadd.s32 @!p4 $0xFFFE0000, s14;
	s28 =	simm.s32 @!p2 $0x3  }
0x69: {  	[tilespmem:s21], [sflag:$0x4] =	stream.strided.gather @!p4 [hbm4b:s25+s26], $0x4000, s20, s26, $0x38;
	[tilespmem:$0x1FF00] =	vst v63  }
0x6a: {  	_ =	swait.ge @!p2 [sflag:s28], $0x100  }
0x6b: {  	[sflag:s28] =	ssyncset.done @!p2 $0x0  }
0x6c: {  	s20 =	simm.s32 @!p2 $0x6;
	[sflag:s28] =	ssyncadd.s32 @!p2 $0xFFFFFF00  }
0x6d: {  	_ =	swait.ge @!p2 [sflag:s20], $0x4000  }
0x6e: {  	v0 =	vlaneseq.u32 @!p2;
	[sflag:s20] =	ssyncset.done @!p2 $0x0  }
0x6f: {  	v0 =	vmul.u32 @!p2 $0x80, v0;
	[sflag:s20] =	ssyncadd.s32 @!p2 $0xFFFFC000  }
0x70: {  	v1 =	vld @!p2 [tilespmem:$0x280];
	_ =	sdelay $0x4  }
0x71: {  	[tilespmem:v0+s1+$0x0] =	vst.idx.msk @!p2 $0xffff, v1  }
0x72: {  	v1 =	vor.u32 @!p2 $0x800, v0;
	v2 =	vld @!p2 [tilespmem:$0x290];
	_ =	sdelay $0x4  }
0x73: {  	[tilespmem:v1+s1+$0x0] =	vst.idx.msk @!p2 $0xffff, v2  }
0x74: {  	v1 =	vor.u32 @!p2 $0x1000, v0;
	v2 =	vld @!p2 [tilespmem:$0x2A0];
	_ =	sdelay $0x4  }
0x75: {  	[tilespmem:v1+s1+$0x0] =	vst.idx.msk @!p2 $0xffff, v2  }
0x76: {  	v1 =	vor.u32 @!p2 $0x1800, v0;
	v2 =	vld @!p2 [tilespmem:$0x2B0];
	_ =	sdelay $0x4  }
0x77: {  	[tilespmem:v1+s1+$0x0] =	vst.idx.msk @!p2 $0xffff, v2  }
0x78: {  	v1 =	vor.u32 @!p2 $0x2000, v0;
	v2 =	vld @!p2 [tilespmem:$0x2C0];
	_ =	sdelay $0x4  }
0x79: {  	[tilespmem:v1+s1+$0x0] =	vst.idx.msk @!p2 $0xffff, v2  }
0x7a: {  	v1 =	vor.u32 @!p2 $0x2800, v0;
	v2 =	vld @!p2 [tilespmem:$0x2D0];
	_ =	sdelay $0x4  }
0x7b: {  	[tilespmem:v1+s1+$0x0] =	vst.idx.msk @!p2 $0xffff, v2  }
0x7c: {  	v1 =	vor.u32 @!p2 $0x3000, v0;
	v2 =	vld @!p2 [tilespmem:$0x2E0];
	_ =	sdelay $0x4  }
0x7d: {  	[tilespmem:v1+s1+$0x0] =	vst.idx.msk @!p2 $0xffff, v2  }
0x7e: {  	v0 =	vor.u32 @!p2 $0x3800, v0;
	v1 =	vld @!p2 [tilespmem:$0x2F0];
	_ =	sdelay $0x2  }
0x7f: {  	s29 =	simm.s32 $0xC0;
	s31 =	smov.u32 s13;
	s0 =	sadd.s32 $0x80, s8  }
0x80: {  	s30 =	smov.u32 s14;
	p5 =	sgt.u32 s0, $0x9C3;
	s0 =	simm.s32 @!p2 $0x80  }
0x81: {  	s21 =	simm.s32 @!p5 $0x0;
	s25 =	sadd.s32 $0x60000, s14;
	s20 =	simm.s32 @!p5 $0x8;
	[tilespmem:v0+s1+$0x0] =	vst.idx.msk @!p2 $0xffff, v1  }
0x82: {  	[spmem:s2] =	stream.indirect.scatter.add.f32 @!p2 [tilespmem:s1], [sflag:$0x9], $0x80, s19, s0, $0xb8;
	[tilespmem:$0x1FF00] =	vst v63  }
0x83: {  	s26 =	sadd.s32 $0xC00, s13;
	s28 =	simm.s32 $0x60;
	_ =	swait.ge @!p5 [sflag:s20], $0x4000  }
0x84: {  	s1 =	simm.s32 @!p5 $0x100;
	s0 =	rddreg [dreg:$0x4];
	[sflag:s20] =	ssyncset.done @!p5 $0x0  }
.LBB2_2:
0x85: {  	[sflag:s20] =	ssyncadd.s32 @!p5 $0xFFFFC000;
	s19 =	simm.s32 @!p5 $0x4300;
	p4 =	sge.u32 s28, s0  }
0x86: {  	[tilespmem:s1], [sflag:$0x2] =	stream.linear.gather @!p5 [hbm4b:s31+s21], $0x100, $0x38;
	[tilespmem:$0x1FF00] =	vst v63  }
0x87: {  	s0 =	simm.s32 @!p5 $0x400;
	s1 =	simm.s32 @!p5 $0x800;
	s21 =	simm.s32 @!p4 $0x1  }
0x88: {  	[tilespmem:s19], [sflag:$0x5] =	stream.strided.gather @!p5 [hbm4b:s30+s0], $0x4000, s1, s0, $0x38;
	[tilespmem:$0x1FF00] =	vst v63  }
0x89: {  	_ =	swait.ge @!p4 [sflag:s21], $0x100  }
0x8a: {  	[sflag:s21] =	ssyncset.done @!p4 $0x0  }
0x8b: {  	s0 =	simm.s32 @!p4 $0x4;
	[sflag:s21] =	ssyncadd.s32 @!p4 $0xFFFFFF00  }
0x8c: {  	_ =	swait.ge @!p4 [sflag:s0], $0x4000  }
0x8d: {  	v0 =	vlaneseq.u32 @!p4;
	[sflag:s0] =	ssyncset.done @!p4 $0x0  }
0x8e: {  	v0 =	vmul.u32 @!p4 $0x80, v0;
	[sflag:s0] =	ssyncadd.s32 @!p4 $0xFFFFC000  }
0x8f: {  	v8 =	vld @!p4 [tilespmem:$0x80];
	_ =	sdelay $0x3  }
0x90: {  	v1 =	vor.u32 @!p4 $0x2000, v0;
	s0 =	simm.s32 @!p4 $0x300  }
0x91: {  	v2 =	vor.u32 @!p4 $0x2800, v0;
	v3 =	vor.u32 @!p4 $0x3000, v0;
	v4 =	vor.u32 @!p4 $0x800, v0;
	[tilespmem:v0+s0+$0x0] =	vst.idx.msk @!p4 $0xffff, v8  }
0x92: {  	v5 =	vor.u32 @!p4 $0x1000, v0;
	v6 =	vor.u32 @!p4 $0x3800, v0;
	v7 =	vor.u32 @!p4 $0x1800, v0;
	v0 =	vld @!p4 [tilespmem:$0x90];
	_ =	sdelay $0x4  }
0x93: {  	[tilespmem:v4+s0+$0x0] =	vst.idx.msk @!p4 $0xffff, v0  }
0x94: {  	v0 =	vld @!p4 [tilespmem:$0xA0];
	_ =	sdelay $0x4  }
0x95: {  	[tilespmem:v5+s0+$0x0] =	vst.idx.msk @!p4 $0xffff, v0  }
0x96: {  	v0 =	vld @!p4 [tilespmem:$0xB0];
	_ =	sdelay $0x4  }
0x97: {  	[tilespmem:v7+s0+$0x0] =	vst.idx.msk @!p4 $0xffff, v0  }
0x98: {  	v0 =	vld @!p4 [tilespmem:$0xC0];
	_ =	sdelay $0x4  }
0x99: {  	[tilespmem:v1+s0+$0x0] =	vst.idx.msk @!p4 $0xffff, v0  }
0x9a: {  	v0 =	vld @!p4 [tilespmem:$0xD0];
	_ =	sdelay $0x4  }
0x9b: {  	[tilespmem:v2+s0+$0x0] =	vst.idx.msk @!p4 $0xffff, v0  }
0x9c: {  	v0 =	vld @!p4 [tilespmem:$0xE0];
	_ =	sdelay $0x4  }
0x9d: {  	[tilespmem:v3+s0+$0x0] =	vst.idx.msk @!p4 $0xffff, v0  }
0x9e: {  	s7 =	sadd.s32 s28, s4;
	v0 =	vld @!p4 [tilespmem:$0xF0]  }
0x9f: {  	s8 =	sadd.s32 $0x40, s7  }
0xa0: {  	p3 =	sgt.u32 s8, $0x9C3  }
0xa1: {  	p5 =	seq.s32 @!p3 s28, $0x0  }
0xa2: {  	s3 =	simm.s32 @!p4 $0x0;
	s1 =	sadd.s32 $0x80, s7;
	p5 =	por p5, p3  }
0xa3: {  	s19 =	simm.s32 @!p4 $0x80;
	s8 =	simm.s32 @!p3 $0x0;
	s5 =	simm.s32 @!p5 $0x9;
	[tilespmem:v6+s0+$0x0] =	vst.idx.msk @!p4 $0xffff, v0  }
0xa4: {  	[spmem:s2] =	stream.indirect.scatter.add.f32 @!p4 [tilespmem:s0], [sflag:$0x7], $0x80, s3, s19, $0xb8;
	[tilespmem:$0x1FF00] =	vst v63  }
0xa5: {  	s21 =	sadd.s32 $0x60, s7;
	s3 =	simm.s32 @!p3 $0x800;
	_ =	swait.ge @!p5 [sflag:s5], $0x4000  }
0xa6: {  	s0 =	simm.s32 @!p3 $0x8300;
	s19 =	simm.s32 @!p3 $0x200;
	[sflag:s5] =	ssyncset.done @!p5 $0x0  }
0xa7: {  	s7 =	rddreg [dreg:$0x5];
	[sflag:s5] =	ssyncadd.s32 @!p5 $0xFFFFC000;
	s5 =	sadd.s32 @!p3 $0xFFFFF800, s26  }
0xa8: {  	[tilespmem:s19], [sflag:$0x3] =	stream.linear.gather @!p3 [hbm4b:s5+s8], $0x100, $0x38;
	[tilespmem:$0x1FF00] =	vst v63  }
0xa9: {  	p4 =	sge.u32 s28, s7;
	s5 =	sadd.s32 @!p3 $0xFFFC0000, s25;
	s8 =	simm.s32 @!p3 $0x400  }
0xaa: {  	[tilespmem:s0], [sflag:$0x6] =	stream.strided.gather @!p3 [hbm4b:s5+s8], $0x4000, s3, s8, $0x38;
	[tilespmem:$0x1FF00] =	vst v63  }
0xab: {  	s3 =	simm.s32 @!p4 $0x2  }
0xac: {  	_ =	swait.ge @!p4 [sflag:s3], $0x100  }
0xad: {  	[sflag:s3] =	ssyncset.done @!p4 $0x0  }
0xae: {  	s5 =	simm.s32 @!p4 $0x5;
	[sflag:s3] =	ssyncadd.s32 @!p4 $0xFFFFFF00  }
0xaf: {  	_ =	swait.ge @!p4 [sflag:s5], $0x4000  }
0xb0: {  	v8 =	vlaneseq.u32 @!p4;
	[sflag:s5] =	ssyncset.done @!p4 $0x0  }
0xb1: {  	v8 =	vmul.u32 @!p4 $0x80, v8;
	[sflag:s5] =	ssyncadd.s32 @!p4 $0xFFFFC000  }
0xb2: {  	v16 =	vld @!p4 [tilespmem:$0x180];
	_ =	sdelay $0x2  }
0xb3: {  	s20 =	smov.u32 s29  }
0xb4: {  	s28 =	smov.u32 s20;
	s20 =	simm.s32 @!p4 $0x4300;
	v9 =	vor.u32 @!p4 $0x800, v8  }
0xb5: {  	v10 =	vor.u32 @!p4 $0x1000, v8;
	v11 =	vor.u32 @!p4 $0x1800, v8;
	v12 =	vor.u32 @!p4 $0x2000, v8;
	[tilespmem:v8+s20+$0x0] =	vst.idx.msk @!p4 $0xffff, v16  }
0xb6: {  	v13 =	vor.u32 @!p4 $0x2800, v8;
	v14 =	vor.u32 @!p4 $0x3000, v8;
	v15 =	vor.u32 @!p4 $0x3800, v8;
	v8 =	vld @!p4 [tilespmem:$0x190];
	_ =	sdelay $0x4  }
0xb7: {  	[tilespmem:v9+s20+$0x0] =	vst.idx.msk @!p4 $0xffff, v8  }
0xb8: {  	v8 =	vld @!p4 [tilespmem:$0x1A0];
	_ =	sdelay $0x4  }
0xb9: {  	[tilespmem:v10+s20+$0x0] =	vst.idx.msk @!p4 $0xffff, v8  }
0xba: {  	v8 =	vld @!p4 [tilespmem:$0x1B0];
	_ =	sdelay $0x4  }
0xbb: {  	[tilespmem:v11+s20+$0x0] =	vst.idx.msk @!p4 $0xffff, v8  }
0xbc: {  	v8 =	vld @!p4 [tilespmem:$0x1C0];
	_ =	sdelay $0x4  }
0xbd: {  	[tilespmem:v12+s20+$0x0] =	vst.idx.msk @!p4 $0xffff, v8  }
0xbe: {  	v8 =	vld @!p4 [tilespmem:$0x1D0];
	_ =	sdelay $0x4  }
0xbf: {  	[tilespmem:v13+s20+$0x0] =	vst.idx.msk @!p4 $0xffff, v8  }
0xc0: {  	v8 =	vld @!p4 [tilespmem:$0x1E0];
	_ =	sdelay $0x4  }
0xc1: {  	[tilespmem:v14+s20+$0x0] =	vst.idx.msk @!p4 $0xffff, v8  }
0xc2: {  	v8 =	vld @!p4 [tilespmem:$0x1F0];
	_ =	sdelay $0x3  }
0xc3: {  	p5 =	sgt.u32 s21, $0x9C3  }
0xc4: {  	s7 =	simm.s32 @!p5 $0x7;
	s3 =	simm.s32 @!p4 $0x80;
	s5 =	simm.s32 @!p4 $0x100;
	[tilespmem:v15+s20+$0x0] =	vst.idx.msk @!p4 $0xffff, v8  }
0xc5: {  	[spmem:s2] =	stream.indirect.scatter.add.f32 @!p4 [tilespmem:s20], [sflag:$0x8], $0x80, s5, s3, $0xb8;
	[tilespmem:$0x1FF00] =	vst v63  }
0xc6: {  	_ =	swait.ge @!p5 [sflag:s7], $0x4000  }
0xc7: {  	s21 =	simm.s32 @!p5 $0x400;
	s8 =	sadd.s32 @!p5 $0xFFFFFC00, s26;
	[sflag:s7] =	ssyncset.done @!p5 $0x0  }
0xc8: {  	s3 =	simm.s32 @!p5 $0x800;
	s20 =	simm.s32 @!p5 $0x0;
	[sflag:s7] =	ssyncadd.s32 @!p5 $0xFFFFC000  }
0xc9: {  	[tilespmem:s20], [sflag:$0x1] =	stream.linear.gather @!p5 [hbm4b:s8+s20], $0x100, $0x38;
	[tilespmem:$0x1FF00] =	vst v63  }
0xca: {  	s5 =	simm.s32 @!p5 $0x300;
	s7 =	sadd.s32 @!p5 $0xFFFE0000, s25;
	s8 =	simm.s32 @!p3 $0x3  }
0xcb: {  	[tilespmem:s5], [sflag:$0x4] =	stream.strided.gather @!p5 [hbm4b:s7+s21], $0x4000, s3, s21, $0x38;
	[tilespmem:$0x1FF00] =	vst v63  }
0xcc: {  	_ =	swait.ge @!p3 [sflag:s8], $0x100  }
0xcd: {  	[sflag:s8] =	ssyncset.done @!p3 $0x0  }
0xce: {  	s3 =	simm.s32 @!p3 $0x6;
	[sflag:s8] =	ssyncadd.s32 @!p3 $0xFFFFFF00  }
0xcf: {  	_ =	swait.ge @!p3 [sflag:s3], $0x4000  }
0xd0: {  	v1 =	vlaneseq.u32 @!p3;
	[sflag:s3] =	ssyncset.done @!p3 $0x0  }
0xd1: {  	v7 =	vmul.u32 @!p3 $0x80, v1;
	[sflag:s3] =	ssyncadd.s32 @!p3 $0xFFFFC000  }
0xd2: {  	v8 =	vld @!p3 [tilespmem:$0x280];
	_ =	sdelay $0x3  }
0xd3: {  	v5 =	vor.u32 @!p3 $0x1000, v7  }
0xd4: {  	v4 =	vor.u32 @!p3 $0x1800, v7;
	v1 =	vor.u32 @!p3 $0x3000, v7;
	v2 =	vor.u32 @!p3 $0x2800, v7;
	[tilespmem:v7+s0+$0x0] =	vst.idx.msk @!p3 $0xffff, v8  }
0xd5: {  	v3 =	vor.u32 @!p3 $0x2000, v7;
	v6 =	vor.u32 @!p3 $0x800, v7;
	v0 =	vor.u32 @!p3 $0x3800, v7;
	v7 =	vld @!p3 [tilespmem:$0x290];
	_ =	sdelay $0x4  }
0xd6: {  	[tilespmem:v6+s0+$0x0] =	vst.idx.msk @!p3 $0xffff, v7  }
0xd7: {  	v6 =	vld @!p3 [tilespmem:$0x2A0];
	_ =	sdelay $0x4  }
0xd8: {  	[tilespmem:v5+s0+$0x0] =	vst.idx.msk @!p3 $0xffff, v6  }
0xd9: {  	v5 =	vld @!p3 [tilespmem:$0x2B0];
	_ =	sdelay $0x4  }
0xda: {  	[tilespmem:v4+s0+$0x0] =	vst.idx.msk @!p3 $0xffff, v5  }
0xdb: {  	v4 =	vld @!p3 [tilespmem:$0x2C0];
	_ =	sdelay $0x4  }
0xdc: {  	[tilespmem:v3+s0+$0x0] =	vst.idx.msk @!p3 $0xffff, v4  }
0xdd: {  	v3 =	vld @!p3 [tilespmem:$0x2D0];
	_ =	sdelay $0x4  }
0xde: {  	[tilespmem:v2+s0+$0x0] =	vst.idx.msk @!p3 $0xffff, v3  }
0xdf: {  	v2 =	vld @!p3 [tilespmem:$0x2E0];
	_ =	sdelay $0x4  }
0xe0: {  	[tilespmem:v1+s0+$0x0] =	vst.idx.msk @!p3 $0xffff, v2  }
0xe1: {  	v1 =	vld @!p3 [tilespmem:$0x2F0];
	_ =	sdelay $0x1  }
0xe2: {  	s29 =	sadd.s32 $0x60, s29  }
0xe3: {  	p2 =	sne.s32 s29, $0xA20;
	s31 =	smov.u32 s26  }
.Ltmp0:
0xe4: {  	s30 =	smov.u32 s25;
	p5 =	sgt.u32 s1, $0x9C3;
	(pc) =	sbr.rel @p2 .LBB2_2-.Ltmp0, $4  }
0xe5: {  	s26 =	sadd.s32 $0xC00, s26;
	s20 =	simm.s32 @!p5 $0x8;
	s3 =	simm.s32 @!p3 $0x80;
	[tilespmem:v0+s0+$0x0] =	vst.idx.msk @!p3 $0xffff, v1  }
0xe6: {  	[spmem:s2] =	stream.indirect.scatter.add.f32 @!p3 [tilespmem:s0], [sflag:$0x9], $0x80, s19, s3, $0xb8;
	[tilespmem:$0x1FF00] =	vst v63  }
0xe7: {  	s25 =	sadd.s32 $0x60000, s25;
	s21 =	simm.s32 @!p5 $0x0;
	_ =	swait.ge @!p5 [sflag:s20], $0x4000  }
0xe8: {  	s1 =	simm.s32 @!p5 $0x100;
	s0 =	rddreg [dreg:$0x4];
	[sflag:s20] =	ssyncset.done @!p5 $0x0  }
0xe9: {  	[sflag:s20] =	ssyncadd.s32 @!p5 $0xFFFFC000;
	p3 =	sge.u32 s28, s0;
	s0 =	simm.s32 @!p5 $0x400  }
0xea: {  	[tilespmem:s1], [sflag:$0x2] =	stream.linear.gather @!p5 [hbm4b:s31+s21], $0x100, $0x38;
	[tilespmem:$0x1FF00] =	vst v63  }
0xeb: {  	s3 =	simm.s32 @!p5 $0x800;
	s1 =	simm.s32 @!p5 $0x4300;
	s5 =	simm.s32 @!p3 $0x1  }
0xec: {  	[tilespmem:s1], [sflag:$0x5] =	stream.strided.gather @!p5 [hbm4b:s30+s0], $0x4000, s3, s0, $0x38;
	[tilespmem:$0x1FF00] =	vst v63  }
0xed: {  	_ =	swait.ge @!p3 [sflag:s5], $0x100  }
0xee: {  	[sflag:s5] =	ssyncset.done @!p3 $0x0  }
0xef: {  	s0 =	simm.s32 @!p3 $0x4;
	[sflag:s5] =	ssyncadd.s32 @!p3 $0xFFFFFF00  }
0xf0: {  	_ =	swait.ge @!p3 [sflag:s0], $0x4000  }
0xf1: {  	v0 =	vlaneseq.u32 @!p3;
	[sflag:s0] =	ssyncset.done @!p3 $0x0  }
0xf2: {  	v0 =	vmul.u32 @!p3 $0x80, v0;
	[sflag:s0] =	ssyncadd.s32 @!p3 $0xFFFFC000  }
0xf3: {  	v1 =	vld @!p3 [tilespmem:$0x80];
	_ =	sdelay $0x3  }
0xf4: {  	s1 =	simm.s32 @!p3 $0x300  }
0xf5: {  	[tilespmem:v0+s1+$0x0] =	vst.idx.msk @!p3 $0xffff, v1  }
0xf6: {  	v1 =	vor.u32 @!p3 $0x800, v0;
	v2 =	vld @!p3 [tilespmem:$0x90];
	_ =	sdelay $0x4  }
0xf7: {  	[tilespmem:v1+s1+$0x0] =	vst.idx.msk @!p3 $0xffff, v2  }
0xf8: {  	v1 =	vor.u32 @!p3 $0x1000, v0;
	v2 =	vld @!p3 [tilespmem:$0xA0];
	_ =	sdelay $0x4  }
0xf9: {  	[tilespmem:v1+s1+$0x0] =	vst.idx.msk @!p3 $0xffff, v2  }
0xfa: {  	v1 =	vor.u32 @!p3 $0x1800, v0;
	v2 =	vld @!p3 [tilespmem:$0xB0];
	_ =	sdelay $0x4  }
0xfb: {  	[tilespmem:v1+s1+$0x0] =	vst.idx.msk @!p3 $0xffff, v2  }
0xfc: {  	v1 =	vor.u32 @!p3 $0x2000, v0;
	v2 =	vld @!p3 [tilespmem:$0xC0];
	_ =	sdelay $0x4  }
0xfd: {  	[tilespmem:v1+s1+$0x0] =	vst.idx.msk @!p3 $0xffff, v2  }
0xfe: {  	v1 =	vor.u32 @!p3 $0x2800, v0;
	v2 =	vld @!p3 [tilespmem:$0xD0];
	_ =	sdelay $0x4  }
0xff: {  	[tilespmem:v1+s1+$0x0] =	vst.idx.msk @!p3 $0xffff, v2  }
0x100: {  	v1 =	vor.u32 @!p3 $0x3000, v0;
	v2 =	vld @!p3 [tilespmem:$0xE0];
	_ =	sdelay $0x4  }
0x101: {  	[tilespmem:v1+s1+$0x0] =	vst.idx.msk @!p3 $0xffff, v2  }
0x102: {  	s21 =	sadd.s32 s28, s4;
	v0 =	vor.u32 @!p3 $0x3800, v0;
	v1 =	vld @!p3 [tilespmem:$0xF0]  }
0x103: {  	s29 =	sadd.s32 $0x40, s21  }
0x104: {  	p2 =	sgt.u32 s29, $0x9C3  }
0x105: {  	p4 =	seq.s32 @!p2 s28, $0x0  }
0x106: {  	p4 =	por p4, p2  }
0x107: {  	s3 =	simm.s32 @!p3 $0x80;
	s5 =	simm.s32 @!p3 $0x0;
	s7 =	simm.s32 @!p4 $0x9;
	[tilespmem:v0+s1+$0x0] =	vst.idx.msk @!p3 $0xffff, v1  }
0x108: {  	[spmem:s2] =	stream.indirect.scatter.add.f32 @!p3 [tilespmem:s1], [sflag:$0x7], $0x80, s5, s3, $0xb8;
	[tilespmem:$0x1FF00] =	vst v63  }
0x109: {  	s19 =	simm.s32 @!p2 $0x200;
	s8 =	simm.s32 @!p2 $0x0;
	_ =	swait.ge @!p4 [sflag:s7], $0x4000  }
0x10a: {  	s3 =	simm.s32 @!p2 $0x800;
	s1 =	simm.s32 @!p2 $0x8300;
	[sflag:s7] =	ssyncset.done @!p4 $0x0  }
0x10b: {  	s30 =	rddreg [dreg:$0x5];
	[sflag:s7] =	ssyncadd.s32 @!p4 $0xFFFFC000;
	s7 =	sadd.s32 @!p2 $0xFFFFF800, s26  }
0x10c: {  	[tilespmem:s19], [sflag:$0x3] =	stream.linear.gather @!p2 [hbm4b:s7+s8], $0x100, $0x38;
	[tilespmem:$0x1FF00] =	vst v63  }
0x10d: {  	p3 =	sge.u32 s28, s30;
	s7 =	sadd.s32 @!p2 $0xFFFC0000, s25;
	s8 =	simm.s32 @!p2 $0x400  }
0x10e: {  	[tilespmem:s1], [sflag:$0x6] =	stream.strided.gather @!p2 [hbm4b:s7+s8], $0x4000, s3, s8, $0x38;
	[tilespmem:$0x1FF00] =	vst v63  }
0x10f: {  	s3 =	simm.s32 @!p3 $0x2  }
0x110: {  	_ =	swait.ge @!p3 [sflag:s3], $0x100  }
0x111: {  	[sflag:s3] =	ssyncset.done @!p3 $0x0  }
0x112: {  	s5 =	simm.s32 @!p3 $0x5;
	[sflag:s3] =	ssyncadd.s32 @!p3 $0xFFFFFF00  }
0x113: {  	_ =	swait.ge @!p3 [sflag:s5], $0x4000  }
0x114: {  	v0 =	vlaneseq.u32 @!p3;
	[sflag:s5] =	ssyncset.done @!p3 $0x0  }
0x115: {  	v0 =	vmul.u32 @!p3 $0x80, v0;
	[sflag:s5] =	ssyncadd.s32 @!p3 $0xFFFFC000  }
0x116: {  	v1 =	vld @!p3 [tilespmem:$0x180];
	_ =	sdelay $0x3  }
0x117: {  	s3 =	simm.s32 @!p3 $0x4300  }
0x118: {  	[tilespmem:v0+s3+$0x0] =	vst.idx.msk @!p3 $0xffff, v1  }
0x119: {  	v1 =	vor.u32 @!p3 $0x800, v0;
	v2 =	vld @!p3 [tilespmem:$0x190];
	_ =	sdelay $0x4  }
0x11a: {  	[tilespmem:v1+s3+$0x0] =	vst.idx.msk @!p3 $0xffff, v2  }
0x11b: {  	v1 =	vor.u32 @!p3 $0x1000, v0;
	v2 =	vld @!p3 [tilespmem:$0x1A0];
	_ =	sdelay $0x4  }
0x11c: {  	[tilespmem:v1+s3+$0x0] =	vst.idx.msk @!p3 $0xffff, v2  }
0x11d: {  	v1 =	vor.u32 @!p3 $0x1800, v0;
	v2 =	vld @!p3 [tilespmem:$0x1B0];
	_ =	sdelay $0x4  }
0x11e: {  	[tilespmem:v1+s3+$0x0] =	vst.idx.msk @!p3 $0xffff, v2  }
0x11f: {  	v1 =	vor.u32 @!p3 $0x2000, v0;
	v2 =	vld @!p3 [tilespmem:$0x1C0];
	_ =	sdelay $0x4  }
0x120: {  	[tilespmem:v1+s3+$0x0] =	vst.idx.msk @!p3 $0xffff, v2  }
0x121: {  	v1 =	vor.u32 @!p3 $0x2800, v0;
	v2 =	vld @!p3 [tilespmem:$0x1D0];
	_ =	sdelay $0x4  }
0x122: {  	[tilespmem:v1+s3+$0x0] =	vst.idx.msk @!p3 $0xffff, v2  }
0x123: {  	v1 =	vor.u32 @!p3 $0x3000, v0;
	v2 =	vld @!p3 [tilespmem:$0x1E0];
	_ =	sdelay $0x4  }
0x124: {  	[tilespmem:v1+s3+$0x0] =	vst.idx.msk @!p3 $0xffff, v2  }
0x125: {  	v0 =	vor.u32 @!p3 $0x3800, v0;
	v1 =	vld @!p3 [tilespmem:$0x1F0];
	_ =	sdelay $0x2  }
0x126: {  	s31 =	sadd.s32 $0x60, s21  }
0x127: {  	p4 =	sgt.u32 s31, $0x9C3  }
0x128: {  	s7 =	simm.s32 @!p3 $0x100;
	s8 =	simm.s32 @!p4 $0x7;
	s5 =	simm.s32 @!p3 $0x80;
	[tilespmem:v0+s3+$0x0] =	vst.idx.msk @!p3 $0xffff, v1  }
0x129: {  	[spmem:s2] =	stream.indirect.scatter.add.f32 @!p3 [tilespmem:s3], [sflag:$0x8], $0x80, s7, s5, $0xb8;
	[tilespmem:$0x1FF00] =	vst v63  }
0x12a: {  	_ =	swait.ge @!p4 [sflag:s8], $0x4000  }
0x12b: {  	s20 =	simm.s32 @!p4 $0x0;
	s3 =	simm.s32 @!p4 $0x800;
	[sflag:s8] =	ssyncset.done @!p4 $0x0  }
0x12c: {  	s5 =	simm.s32 @!p4 $0x300;
	s7 =	sadd.s32 @!p4 $0xFFFFFC00, s26;
	[sflag:s8] =	ssyncadd.s32 @!p4 $0xFFFFC000  }
0x12d: {  	[tilespmem:s20], [sflag:$0x1] =	stream.linear.gather @!p4 [hbm4b:s7+s20], $0x100, $0x38;
	[tilespmem:$0x1FF00] =	vst v63  }
0x12e: {  	s8 =	simm.s32 @!p4 $0x400;
	s7 =	sadd.s32 @!p4 $0xFFFE0000, s25;
	s20 =	simm.s32 @!p2 $0x3  }
0x12f: {  	[tilespmem:s5], [sflag:$0x4] =	stream.strided.gather @!p4 [hbm4b:s7+s8], $0x4000, s3, s8, $0x38;
	[tilespmem:$0x1FF00] =	vst v63  }
0x130: {  	_ =	swait.ge @!p2 [sflag:s20], $0x100  }
0x131: {  	[sflag:s20] =	ssyncset.done @!p2 $0x0  }
0x132: {  	s3 =	simm.s32 @!p2 $0x6;
	[sflag:s20] =	ssyncadd.s32 @!p2 $0xFFFFFF00  }
0x133: {  	_ =	swait.ge @!p2 [sflag:s3], $0x4000  }
0x134: {  	v0 =	vlaneseq.u32 @!p2;
	[sflag:s3] =	ssyncset.done @!p2 $0x0  }
0x135: {  	v0 =	vmul.u32 @!p2 $0x80, v0;
	[sflag:s3] =	ssyncadd.s32 @!p2 $0xFFFFC000  }
0x136: {  	v1 =	vld @!p2 [tilespmem:$0x280];
	_ =	sdelay $0x4  }
0x137: {  	[tilespmem:v0+s1+$0x0] =	vst.idx.msk @!p2 $0xffff, v1  }
0x138: {  	v1 =	vor.u32 @!p2 $0x800, v0;
	v2 =	vld @!p2 [tilespmem:$0x290];
	_ =	sdelay $0x4  }
0x139: {  	[tilespmem:v1+s1+$0x0] =	vst.idx.msk @!p2 $0xffff, v2  }
0x13a: {  	v1 =	vor.u32 @!p2 $0x1000, v0;
	v2 =	vld @!p2 [tilespmem:$0x2A0];
	_ =	sdelay $0x4  }
0x13b: {  	[tilespmem:v1+s1+$0x0] =	vst.idx.msk @!p2 $0xffff, v2  }
0x13c: {  	v1 =	vor.u32 @!p2 $0x1800, v0;
	v2 =	vld @!p2 [tilespmem:$0x2B0];
	_ =	sdelay $0x4  }
0x13d: {  	[tilespmem:v1+s1+$0x0] =	vst.idx.msk @!p2 $0xffff, v2  }
0x13e: {  	v1 =	vor.u32 @!p2 $0x2000, v0;
	v2 =	vld @!p2 [tilespmem:$0x2C0];
	_ =	sdelay $0x4  }
0x13f: {  	[tilespmem:v1+s1+$0x0] =	vst.idx.msk @!p2 $0xffff, v2  }
0x140: {  	v1 =	vor.u32 @!p2 $0x2800, v0;
	v2 =	vld @!p2 [tilespmem:$0x2D0];
	_ =	sdelay $0x4  }
0x141: {  	[tilespmem:v1+s1+$0x0] =	vst.idx.msk @!p2 $0xffff, v2  }
0x142: {  	v1 =	vor.u32 @!p2 $0x3000, v0;
	v2 =	vld @!p2 [tilespmem:$0x2E0];
	_ =	sdelay $0x4  }
0x143: {  	[tilespmem:v1+s1+$0x0] =	vst.idx.msk @!p2 $0xffff, v2  }
0x144: {  	v0 =	vor.u32 @!p2 $0x3800, v0;
	v1 =	vld @!p2 [tilespmem:$0x2F0];
	_ =	sdelay $0x2  }
0x145: {  	s0 =	sadd.s32 $0x80, s21  }
0x146: {  	p3 =	sgt.u32 s0, $0x9C3  }
0x147: {  	s0 =	simm.s32 @!p2 $0x80;
	s3 =	simm.s32 @!p3 $0x8;
	[tilespmem:v0+s1+$0x0] =	vst.idx.msk @!p2 $0xffff, v1  }
0x148: {  	[spmem:s2] =	stream.indirect.scatter.add.f32 @!p2 [tilespmem:s1], [sflag:$0x9], $0x80, s19, s0, $0xb8;
	[tilespmem:$0x1FF00] =	vst v63  }
0x149: {  	_ =	swait.ge @!p3 [sflag:s3], $0x4000  }
0x14a: {  	[sflag:s3] =	ssyncset.done @!p3 $0x0  }
0x14b: {  	s0 =	simm.s32 @!p3 $0x0;
	s1 =	simm.s32 @!p3 $0x100;
	[sflag:s3] =	ssyncadd.s32 @!p3 $0xFFFFC000  }
0x14c: {  	[tilespmem:s1], [sflag:$0x2] =	stream.linear.gather @!p3 [hbm4b:s26+s0], $0x100, $0x38;
	[tilespmem:$0x1FF00] =	vst v63  }
0x14d: {  	s3 =	simm.s32 @!p3 $0x800;
	s0 =	simm.s32 @!p3 $0x4300;
	s1 =	simm.s32 @!p3 $0x400  }
0x14e: {  	[tilespmem:s0], [sflag:$0x5] =	stream.strided.gather @!p3 [hbm4b:s25+s1], $0x4000, s3, s1, $0x38;
	[tilespmem:$0x1FF00] =	vst v63  }
0x14f: {  	s0 =	simm.s32 @!p0 $0x7  }
0x150: {  	_ =	swait.ge @!p0 [sflag:s0], $0x4000  }
0x151: {  	[sflag:s0] =	ssyncset.done @!p0 $0x0  }
0x152: {  	[sflag:s0] =	ssyncadd.s32 @!p0 $0xFFFFC000  }
0x153: {  	_ =	swait.ge [sflag:s22], $0x4000  }
0x154: {  	[sflag:s22] =	ssyncset.done $0x0  }
0x155: {  	[sflag:s22] =	ssyncadd.s32 $0xFFFFC000  }
0x156: {  	_ =	swait.ge [sflag:s23], $0x4000  }
0x157: {  	[sflag:s23] =	ssyncset.done $0x0  }
0x158: {  	s0 =	simm.s32 @!p1 $0x7;
	[sflag:s23] =	ssyncadd.s32 $0xFFFFC000  }
0x159: {  	_ =	swait.ge @!p1 [sflag:s0], $0x4000  }
0x15a: {  	s24 =	sadd.s32 $0x1, s24;
	[sflag:s0] =	ssyncset.done @!p1 $0x0  }
0x15b: {  	p2 =	sne.s32 s24, s12;
	[sflag:s0] =	ssyncadd.s32 @!p1 $0xFFFFC000  }
.Ltmp1:
0x15c: {  	[bflag:$0x0] =	sbarrier.arrive $0xFFFF;
	(pc) =	sbr.rel @p2 .LBB2_1-.Ltmp1, $4  }
0x15d: {  	[hbm:s11], [sflag:s6] =	dma.local [spmem:s15], $0x2780  }
0x15e: {  	_ =	swait.ge [sflag:s16], $0x2780  }
0x15f: {  	[sflag:s16] =	ssyncset.done $0x0  }
0x160: {  	[sflag:s16] =	ssyncadd.s32 $0xFFFFD880  }
0x161: {  	_ =	sfence.sel $0x180000  }
0x162: {  	[bflag:$0x0] =	sbarrier.arrive $0xFFFF  }
0x163: {  	_ =	strace $0x90000047  }
0x164: {  	s0 =	stileid.u32;
	[bflag:$0x2] =	sbarrier.arrive $0xFFFF  }
0x165: {  	p0 =	sne.s32 s0, $0x0;
	s0 =	rddreg [dreg:$0x3]  }
0x166: {  	s0 =	sadd.s32 @!p0 $0x100000, s0  }
0x167: {  	[sflag:s0] =	ssyncadd.tile.s32 @!p0 $0x1;
	_ =	shalt  }
.Lfunc_end2:
_tile_overlayer_lowered:
.L_overlay_start_2:
0x168: {  	(tag) =	ssettag $0x2  }
0x169: {  	s0 =	rddreg [dreg:$0x0];
	s2 =	stileid.u32  }
0x16a: {  	s1 =	rddreg [dreg:$0x1];
	p0 =	sne.s32 s2, $0x0  }
0x16b: {  	s3 =	rddreg [dreg:$0x2];
	[bflag:$0x3] =	sbarrier.arrive $0xFFFF;
	s2 =	simm.s32 @!p0 $0x1C0A  }
0x16c: {  	[timem:s3], [sflag:s2] =	dma.local @!p0 [hbm:s0], s1  }
0x16d: {  	s0 =	simm.s32 @!p0 $0xA  }
0x16e: {  	_ =	swait.ge @!p0 [sflag:s0], s1  }
0x16f: {  	s1 =	ssub.s32 @!p0 $0x0, s1;
	[sflag:s0] =	ssyncset.done @!p0 $0x0  }
0x170: {  	[sflag:s0] =	ssyncadd.s32 @!p0 s1  }
0x171: {  	[bflag:$0x3] =	sbarrier.arrive $0xFFFF  }
0x172: {  	_ =	shalt  }

</sc_bundles>
